<compile_context>
chip_gen: v7x
topology: tpu7x:2x2x1
jax: 0.10.2.dev20260603
libtpu: 0.0.44.dev20260713+nightly
codegen_flags: <defaults>
</compile_context>

<pallas_src>
import functools
import math

import jax
import jax.numpy as jnp
from jax import lax
from jax.experimental import pallas as pl
from jax.experimental.pallas import tpu as pltpu
from jax.experimental.pallas import tpu_sc as plsc

_HP = lax.Precision.HIGHEST

_B, _Q, _S, _T, _D = 8, 4, 64, 512, 128
_BQ = _B * _Q
_STAT_K = 8
_TOK_K = 64
_NT = _BQ * _STAT_K
_RSQD = 1.0 / math.sqrt(_D)


def _prep_body(vl_ref, q_ref, sk_ref, wqs_ref, wqt_ref, wks_ref,
               qt_ref, sw_ref, rid_ref, ridp_ref):
    q2 = q_ref[...]
    qs = lax.dot(q2, wqs_ref[...])
    qt = lax.dot(q2, wqt_ref[...])
    ks = lax.dot(sk_ref[...], wks_ref[...])
    scores = lax.dot_general(qs, ks, (((1,), (1,)), ((), ()))) * _RSQD
    col = lax.broadcasted_iota(jnp.int32, (_BQ, _B * _S), 1)
    row = lax.broadcasted_iota(jnp.int32, (_BQ, _B * _S), 0)
    own = (col // _S) == (row // _Q)
    vlrow = jnp.zeros((_BQ, _B * _S), jnp.int32)
    for b in range(_B):
        vlrow = jnp.where(row // _Q == b, vl_ref[0, b], vlrow)
    valid = (col % _S) < vlrow
    scores = jnp.where(own & valid, scores,
                       jnp.where(own, -1000000.0, -1e30))
    cur = scores
    vals, idxs = [], []
    for _ in range(_STAT_K):
        m = jnp.max(cur, axis=1, keepdims=True)
        i = jnp.min(jnp.where(cur == m, col, 1 << 30), axis=1, keepdims=True)
        vals.append(m)
        idxs.append(i)
        cur = jnp.where(col == i, -3e30, cur)
    vals = jnp.concatenate(vals, axis=1)
    idxs = jnp.concatenate(idxs, axis=1)
    e = jnp.exp(vals - vals[:, :1])
    sw = e / jnp.sum(e, axis=1, keepdims=True)
    qt_ref[...] = qt
    sw_ref[...] = sw
    rid_ref[...] = idxs
    ridp_ref[...] = jnp.concatenate(
        [idxs, jnp.zeros((_BQ, _D - _STAT_K), jnp.int32)], axis=1)


_GB = 32


def _score_body(rid_sm, *refs):
    tkbs = refs[:_GB]
    wkt_ref, qt_ref, o_ref = refs[_GB:]
    wkt = wkt_ref[...]
    for k, tkb in enumerate(tkbs):
        qrow = qt_ref[0, (k // _STAT_K):(k // _STAT_K) + 1]
        ktok = lax.dot(tkb[0], wkt)
        s = lax.dot_general(qrow, ktok,
                            (((1,), (1,)), ((), ()))) * _RSQD
        o_ref[0, k] = s[0]


def _weight_body(s_ref, sw_ref, o_ref):
    s = s_ref[...]
    u = lax.bitcast_convert_type(s, jnp.int32)
    keys = u ^ ((u >> 31) & 0x7FFFFFFF)

    def bsearch(_, lohi):
        lo, hi = lohi
        diff = hi - lo
        mid = lo + (lax.shift_right_logical(diff, 1) + (diff & 1))
        cnt = jnp.sum((keys >= mid).astype(jnp.int32), axis=1, keepdims=True)
        g = cnt >= _TOK_K
        return (jnp.where(g, mid, lo), jnp.where(g, hi, mid - 1))

    kt, _hi = lax.fori_loop(
        0, 32, bsearch,
        (jnp.full((_NT, 1), -(2 ** 31), jnp.int32),
         jnp.full((_NT, 1), 2 ** 31 - 1, jnp.int32)))
    sel = keys >= kt
    m = jnp.max(s, axis=1, keepdims=True)
    ev = jnp.where(sel, jnp.exp(s - m), 0.0)
    z = jnp.sum(ev, axis=1, keepdims=True)
    o_ref[...] = ev * (sw_ref[...] / z)


def _fin_body(acc_ref, wv_ref, wo_ref, out_ref):
    out_ref[...] = lax.dot(lax.dot(acc_ref[...], wv_ref[...], precision=_HP),
                           wo_ref[...], precision=_HP)


_NC = 2
_NS = 16


def _sc_body(w_hbm, va_hbm, rid_hbm, out_hbm,
             rid_v, wrow0, wrow1, selid0, selid1, selw0, selw1,
             vrows0, vrows1, outb, semw0, semw1, semg0, semg1):
    wid = lax.axis_index("s") * _NC + lax.axis_index("c")
    pltpu.sync_copy(rid_hbm.at[wid], rid_v)
    lanes = lax.iota(jnp.int32, 16)
    zf = jnp.zeros((16,), jnp.float32)
    zi = jnp.zeros((16,), jnp.int32)
    wrows = (wrow0, wrow1)
    selids = (selid0, selid1)
    selws = (selw0, selw1)
    vrowss = (vrows0, vrows1)
    semws = (semw0, semw1)
    semgs = (semg0, semg1)

    def jbody(j, acc):
        jf = jnp.full((16,), j, jnp.int32)
        bsv = plsc.load_gather(rid_v, [jf])
        wrow, selid, selw, vrows, sem = wrow0, selid0, selw0, vrows0, semw0
        pltpu.sync_copy(w_hbm.at[wid * _STAT_K + j], wrow)
        for c in range(_TOK_K // 16):
            selw[pl.ds(c * 16, 16)] = zf
            selid[pl.ds(c * 16, 16)] = zi

        def cpass(c, off):
            wv16 = wrow[pl.ds(c * 16, 16)]
            msel = wv16 > 0.0
            pos = off + plsc.cumsum(msel.astype(jnp.int32)) - 1
            okm = msel & (pos < _TOK_K)
            gid = bsv * _T + c * 16 + lanes
            plsc.store_scatter(selid, [pos], gid, mask=okm)
            plsc.store_scatter(selw, [pos], wv16, mask=okm)
            return off + plsc.all_reduce_population_count(msel)

        lax.fori_loop(0, _T // 16, cpass, jnp.zeros((16,), jnp.int32))
        pltpu.async_copy(va_hbm.at[selid], vrows, sem).wait()

        def abody(t2, acc2):
            for t in (t2 * 2, t2 * 2 + 1):
                wv = plsc.load_gather(selw, [jnp.full((16,), t, jnp.int32)])
                acc2 = tuple(acc2[c] + wv * vrows[t, pl.ds(c * 16, 16)]
                             for c in range(8))
            return acc2

        return lax.fori_loop(0, _TOK_K // 2, abody, acc)

    acc = lax.fori_loop(0, _STAT_K, jbody,
                        tuple(jnp.zeros((16,), jnp.float32) for _ in range(8)))
    for c in range(8):
        outb[pl.ds(c * 16, 16)] = acc[c]
    pltpu.sync_copy(outb, out_hbm.at[wid])


@functools.cache
def _sc_main():
    return pl.kernel(
        _sc_body,
        out_type=jax.ShapeDtypeStruct((_BQ, _D), jnp.float32),
        mesh=plsc.VectorSubcoreMesh(core_axis_name="c", subcore_axis_name="s",
                                    num_cores=_NC, num_subcores=_NS),
        compiler_params=pltpu.CompilerParams(needs_layout_passes=False),
        scratch_types=[
            pltpu.VMEM((_D,), jnp.int32),
            pltpu.VMEM((_T,), jnp.float32),
            pltpu.VMEM((_T,), jnp.float32),
            pltpu.VMEM((_TOK_K,), jnp.int32),
            pltpu.VMEM((_TOK_K,), jnp.int32),
            pltpu.VMEM((_D,), jnp.float32),
            pltpu.VMEM((_D,), jnp.float32),
            pltpu.VMEM((_TOK_K, _D), jnp.float32),
            pltpu.VMEM((_TOK_K, _D), jnp.float32),
            pltpu.VMEM((_D,), jnp.float32),
            pltpu.SemaphoreType.DMA,
            pltpu.SemaphoreType.DMA,
            pltpu.SemaphoreType.DMA,
            pltpu.SemaphoreType.DMA,
        ],
    )


def kernel(queries, stat_keys, token_keys, values, stat_valid_lens,
           Wq_stat, Wq_token, Wk_stat, Wk_token, Wv, Wo):
    q2 = queries.reshape(_BQ, _D)
    sk = stat_keys.reshape(_B * _S, _D)
    vaf = values.reshape(_B * _S * _T, _D)
    vl = stat_valid_lens.reshape(1, _B)

    qt, sw, rid, rid_p = pl.pallas_call(
        _prep_body,
        out_shape=[
            jax.ShapeDtypeStruct((_BQ, _D), jnp.float32),
            jax.ShapeDtypeStruct((_BQ, _STAT_K), jnp.float32),
            jax.ShapeDtypeStruct((_BQ, _STAT_K), jnp.int32),
            jax.ShapeDtypeStruct((_BQ, _D), jnp.int32),
        ],
        in_specs=[pl.BlockSpec(memory_space=pltpu.SMEM)] + [pl.BlockSpec()] * 5,
    )(vl, q2, sk, Wq_stat, Wq_token, Wk_stat)

    rid_flat = rid.reshape(_NT)

    _nsteps = _NT // _GB
    _bqper = _GB // _STAT_K
    tk_specs = [
        pl.BlockSpec((1, _T, _D),
                     lambda i, rid_sm, k=k: (rid_sm[i * _GB + k], 0, 0))
        for k in range(_GB)
    ]
    scores = pl.pallas_call(
        _score_body,
        grid_spec=pltpu.PrefetchScalarGridSpec(
            num_scalar_prefetch=1,
            grid=(_nsteps,),
            in_specs=tk_specs + [
                pl.BlockSpec((_D, _D), lambda i, rid_sm: (0, 0)),
                pl.BlockSpec((1, _bqper, _D), lambda i, rid_sm: (i, 0, 0)),
            ],
            out_specs=pl.BlockSpec((1, _GB, _T),
                                   lambda i, rid_sm: (i, 0, 0)),
        ),
        out_shape=jax.ShapeDtypeStruct((_nsteps, _GB, _T), jnp.float32),
    )(rid_flat, *([token_keys] * _GB), Wk_token,
      qt.reshape(_nsteps, _bqper, _D))

    wrows = pl.pallas_call(
        _weight_body,
        out_shape=jax.ShapeDtypeStruct((_NT, _T), jnp.float32),
    )(scores.reshape(_NT, _T), sw.reshape(_NT, 1))

    acc = _sc_main()(wrows, vaf, rid_p)

    out = pl.pallas_call(
        _fin_body,
        out_shape=jax.ShapeDtypeStruct((_BQ, _D), jnp.float32),
    )(acc, Wv, Wo)
    return out.reshape(_B, _Q, _D)

# --- scband reference (transcript-rebuilt; emitter-appended) ---
"""Pipeline reference for scband-selective-attention-16183436772082 (READ-ONLY COPY).

The authoritative reference and input builder live on the scoring server;
editing this copy changes nothing except your own understanding.
"""

import math
import jax, jax.numpy as jnp
import numpy as np

STAT_K = 8
TOKEN_K = 64


def setup_inputs(seed: int = 0) -> dict:
    key = jax.random.key(seed)
    ks = jax.random.split(key, 12)
    B, Q, S, T, D = 8, 4, 64, 512, 128
    queries = jax.random.normal(ks[0], (B, Q, D), dtype=jnp.float32)
    stat_keys = jax.random.normal(ks[1], (B, S, D), dtype=jnp.float32)
    token_keys = jax.random.normal(ks[2], (B * S, T, D), dtype=jnp.float32)
    values = jax.random.normal(ks[3], (B * S, T, D), dtype=jnp.float32)
    stat_valid_lens = jax.random.randint(ks[4], (B,), 1, S + 1, dtype=jnp.int32)
    sc = 1.0 / math.sqrt(D)
    Wq_stat = jax.random.normal(ks[5], (D, D), dtype=jnp.float32) * sc
    Wq_token = jax.random.normal(ks[6], (D, D), dtype=jnp.float32) * sc
    Wk_stat = jax.random.normal(ks[7], (D, D), dtype=jnp.float32) * sc
    Wk_token = jax.random.normal(ks[8], (D, D), dtype=jnp.float32) * sc
    Wv = jax.random.normal(ks[9], (D, D), dtype=jnp.float32) * sc
    Wo = jax.random.normal(ks[10], (D, D), dtype=jnp.float32) * sc
    return {"queries": queries, "stat_keys": stat_keys, "token_keys": token_keys,
            "values": values, "stat_valid_lens": stat_valid_lens,
            "Wq_stat": Wq_stat, "Wq_token": Wq_token, "Wk_stat": Wk_stat,
            "Wk_token": Wk_token, "Wv": Wv, "Wo": Wo}


def reference(queries, stat_keys, token_keys, values, stat_valid_lens,
              Wq_stat, Wq_token, Wk_stat, Wk_token, Wv, Wo):
    qs = queries @ Wq_stat
    qt = queries @ Wq_token
    k_stat = stat_keys @ Wk_stat
    k_tok = token_keys @ Wk_token
    v = values @ Wv
    b, qn, d = qs.shape
    sn = k_stat.shape[1]
    tn = k_tok.shape[1]
    stat_scores = jnp.einsum('bqd,bsd->bqs', qs, k_stat) / math.sqrt(d)
    vl = jnp.repeat(stat_valid_lens, qn)
    flat = stat_scores.reshape(-1, sn)
    m = jnp.arange(sn)[None, :] < vl[:, None]
    flat = jnp.where(m, flat, -1000000.0)
    stat_scores = flat.reshape(b, qn, sn)
    k1 = min(sn - 1, STAT_K)
    w1, i1 = jax.lax.top_k(stat_scores, k1)
    sw = jnp.full_like(stat_scores, -1000000.0)
    sw = sw.at[jnp.arange(b)[:, None, None], jnp.arange(qn)[None, :, None], i1].set(w1)
    sw = jax.nn.softmax(sw, axis=-1)
    qt_rep = jnp.repeat(qt, sn, axis=0)
    tscores = jnp.einsum('bqd,btd->bqt', qt_rep, k_tok) / math.sqrt(d)
    k2 = min(tn - 1, TOKEN_K)
    w2, i2 = jax.lax.top_k(tscores, k2)
    tw = jnp.full_like(tscores, -1000000.0)
    bs = tscores.shape[0]
    tw = tw.at[jnp.arange(bs)[:, None, None], jnp.arange(qn)[None, :, None], i2].set(w2)
    tw = jax.nn.softmax(tw, axis=-1)
    tw = tw.reshape(b, sn, qn, tn).transpose(0, 2, 1, 3)
    cw = (sw[..., None] * tw).reshape(b, qn, sn * tn)
    v = v.reshape(b, sn * tn, d)
    out = jnp.einsum('bqn,bnd->bqd', cw, v) @ Wo
    return out

if __name__ == "__main__":
    import jax
    _d = setup_inputs()
    print(jax.jit(kernel)(*tuple(_d.values())))

</pallas_src>

<mosaic_0001>
#map = affine_map<(d0, d1) -> (0, 0)>
module attributes {stable_mosaic.version = 14 : i64} {
  func.func @_sc_body(%arg0: i32, %arg1: i32, %arg2: memref<256x512xf32, #tpu.memory_space<hbm>>, %arg3: memref<262144x128xf32, #tpu.memory_space<hbm>>, %arg4: memref<32x128xi32, #tpu.memory_space<hbm>>, %arg5: memref<32x128xf32, #tpu.memory_space<hbm>>, %arg6: memref<128xi32, #tpu.memory_space<vmem>>, %arg7: memref<512xf32, #tpu.memory_space<vmem>>, %arg8: memref<512xf32, #tpu.memory_space<vmem>>, %arg9: memref<64xi32, #tpu.memory_space<vmem>>, %arg10: memref<64xi32, #tpu.memory_space<vmem>>, %arg11: memref<128xf32, #tpu.memory_space<vmem>>, %arg12: memref<128xf32, #tpu.memory_space<vmem>>, %arg13: memref<64x128xf32, #tpu.memory_space<vmem>>, %arg14: memref<64x128xf32, #tpu.memory_space<vmem>>, %arg15: memref<128xf32, #tpu.memory_space<vmem>>, %arg16: memref<!tpu.dma_semaphore, #tpu.memory_space<semaphore_mem>>, %arg17: memref<!tpu.dma_semaphore, #tpu.memory_space<semaphore_mem>>, %arg18: memref<!tpu.dma_semaphore, #tpu.memory_space<semaphore_mem>>, %arg19: memref<!tpu.dma_semaphore, #tpu.memory_space<semaphore_mem>>) attributes {dimension_semantics = [#tpu.dimension_semantics<core_parallel>, #tpu.dimension_semantics<subcore_parallel>], iteration_bounds = array<i64: 2, 16>, scalar_prefetch = 0 : i64, scratch_operands = 14 : i64, tpu.core_type = #tpu.core_type<sc_vector_subcore>, window_params = [{transform_indices = #map}, {transform_indices = #map}, {transform_indices = #map}, {transform_indices = #map}]} {
    %mul3A = arith.constant 2 : i32
    %mul3A_0 = arith.muli %arg1, %mul3A : i32
    %add3A = arith.addi %mul3A_0, %arg0 : i32
    "tpu.region"() ({
      %run_scoped3A = tpu.sem_alloc : memref<!tpu.dma_semaphore, #tpu.memory_space<semaphore_mem>>
      %dma_start3A = arith.constant 0 : i32
      %dma_start3A_40 = tpu.memref_slice %arg4[%add3A, %dma_start3A] : memref<32x128xi32, #tpu.memory_space<hbm>> -> memref<1x128xi32, #tpu.memory_space<hbm>>
      %dma_start3A_41 = tpu.memref_squeeze %dma_start3A_40 : memref<1x128xi32, #tpu.memory_space<hbm>> -> memref<128xi32, #tpu.memory_space<hbm>>
      %dma_start3A_42 = arith.constant 0 : i32
      %dma_start3A_43 = tpu.memref_slice %arg4[%add3A, %dma_start3A_42] : memref<32x128xi32, #tpu.memory_space<hbm>> -> memref<1x128xi32, #tpu.memory_space<hbm>>
      %dma_start3A_44 = tpu.memref_squeeze %dma_start3A_43 : memref<1x128xi32, #tpu.memory_space<hbm>> -> memref<128xi32, #tpu.memory_space<hbm>>
      tpu.enqueue_dma source(%dma_start3A_44 : memref<128xi32, #tpu.memory_space<hbm>>) target(%arg6 : memref<128xi32, #tpu.memory_space<vmem>>) target_semaphore(%run_scoped3A : memref<!tpu.dma_semaphore, #tpu.memory_space<semaphore_mem>>)
      %dma_wait3A = arith.constant 0 : i32
      %dma_wait3A_45 = tpu.memref_slice %arg4[%add3A, %dma_wait3A] : memref<32x128xi32, #tpu.memory_space<hbm>> -> memref<1x128xi32, #tpu.memory_space<hbm>>
      %dma_wait3A_46 = tpu.memref_squeeze %dma_wait3A_45 : memref<1x128xi32, #tpu.memory_space<hbm>> -> memref<128xi32, #tpu.memory_space<hbm>>
      %dma_wait3A_47 = arith.constant 0 : i32
      %dma_wait3A_48 = tpu.memref_slice %arg4[%add3A, %dma_wait3A_47] : memref<32x128xi32, #tpu.memory_space<hbm>> -> memref<1x128xi32, #tpu.memory_space<hbm>>
      %dma_wait3A_49 = tpu.memref_squeeze %dma_wait3A_48 : memref<1x128xi32, #tpu.memory_space<hbm>> -> memref<128xi32, #tpu.memory_space<hbm>>
      tpu.wait_dma2 semaphore(%run_scoped3A : memref<!tpu.dma_semaphore, #tpu.memory_space<semaphore_mem>>) src(%dma_wait3A_49 : memref<128xi32, #tpu.memory_space<hbm>>) dst(%arg6 : memref<128xi32, #tpu.memory_space<vmem>>)
      tpu.yield
    }) : () -> ()
    %iota3A = tpu.iota {dimensions = array<i32: 0>} : vector<16xi32>
    %broadcast_in_dim3A = arith.constant 0.000000e+00 : f32
    %broadcast_in_dim3A_1 = vector.broadcast %broadcast_in_dim3A : f32 to vector<16xf32>
    %broadcast_in_dim3A_2 = arith.constant 0 : i32
    %broadcast_in_dim3A_3 = vector.broadcast %broadcast_in_dim3A_2 : i32 to vector<16xi32>
    %broadcast_in_dim3A_4 = arith.constant 0.000000e+00 : f32
    %broadcast_in_dim3A_5 = vector.broadcast %broadcast_in_dim3A_4 : f32 to vector<16xf32>
    %broadcast_in_dim3A_6 = arith.constant 0.000000e+00 : f32
    %broadcast_in_dim3A_7 = vector.broadcast %broadcast_in_dim3A_6 : f32 to vector<16xf32>
    %broadcast_in_dim3A_8 = arith.constant 0.000000e+00 : f32
    %broadcast_in_dim3A_9 = vector.broadcast %broadcast_in_dim3A_8 : f32 to vector<16xf32>
    %broadcast_in_dim3A_10 = arith.constant 0.000000e+00 : f32
    %broadcast_in_dim3A_11 = vector.broadcast %broadcast_in_dim3A_10 : f32 to vector<16xf32>
    %broadcast_in_dim3A_12 = arith.constant 0.000000e+00 : f32
    %broadcast_in_dim3A_13 = vector.broadcast %broadcast_in_dim3A_12 : f32 to vector<16xf32>
    %broadcast_in_dim3A_14 = arith.constant 0.000000e+00 : f32
    %broadcast_in_dim3A_15 = vector.broadcast %broadcast_in_dim3A_14 : f32 to vector<16xf32>
    %broadcast_in_dim3A_16 = arith.constant 0.000000e+00 : f32
    %broadcast_in_dim3A_17 = vector.broadcast %broadcast_in_dim3A_16 : f32 to vector<16xf32>
    %broadcast_in_dim3A_18 = arith.constant 0.000000e+00 : f32
    %broadcast_in_dim3A_19 = vector.broadcast %broadcast_in_dim3A_18 : f32 to vector<16xf32>
    %scan3A = arith.constant 0 : i32
    %scan3A_20 = arith.constant 8 : i32
    %scan3A_21 = arith.addi %scan3A, %scan3A_20 : i32
    %scan3A_22 = arith.constant 1 : i32
    %scan3A_23:8 = scf.for %scan3A_40 = %scan3A to %scan3A_21 step %scan3A_22 iter_args(%scan3A_41 = %broadcast_in_dim3A_5, %scan3A_42 = %broadcast_in_dim3A_7, %scan3A_43 = %broadcast_in_dim3A_9, %scan3A_44 = %broadcast_in_dim3A_11, %scan3A_45 = %broadcast_in_dim3A_13, %scan3A_46 = %broadcast_in_dim3A_15, %scan3A_47 = %broadcast_in_dim3A_17, %scan3A_48 = %broadcast_in_dim3A_19) -> (vector<16xf32>, vector<16xf32>, vector<16xf32>, vector<16xf32>, vector<16xf32>, vector<16xf32>, vector<16xf32>, vector<16xf32>)  : i32 {
      %broadcast_in_dim3A_49 = vector.broadcast %scan3A_40 : i32 to vector<16xi32>
      %gather3A = tpu.vector_load_idx %arg6[%broadcast_in_dim3A_49] : memref<128xi32, #tpu.memory_space<vmem>>[vector<16xi32>], vector<16xi32>,
      %mul3A_50 = arith.constant 8 : i32
      %mul3A_51 = arith.muli %add3A, %mul3A_50 : i32
      %add3A_52 = arith.addi %mul3A_51, %scan3A_40 : i32
      "tpu.region"() ({
        %run_scoped3A = tpu.sem_alloc : memref<!tpu.dma_semaphore, #tpu.memory_space<semaphore_mem>>
        %dma_start3A_87 = arith.constant 0 : i32
        %dma_start3A_88 = tpu.memref_slice %arg2[%add3A_52, %dma_start3A_87] : memref<256x512xf32, #tpu.memory_space<hbm>> -> memref<1x512xf32, #tpu.memory_space<hbm>>
        %dma_start3A_89 = tpu.memref_squeeze %dma_start3A_88 : memref<1x512xf32, #tpu.memory_space<hbm>> -> memref<512xf32, #tpu.memory_space<hbm>>
        %dma_start3A_90 = arith.constant 0 : i32
        %dma_start3A_91 = tpu.memref_slice %arg2[%add3A_52, %dma_start3A_90] : memref<256x512xf32, #tpu.memory_space<hbm>> -> memref<1x512xf32, #tpu.memory_space<hbm>>
        %dma_start3A_92 = tpu.memref_squeeze %dma_start3A_91 : memref<1x512xf32, #tpu.memory_space<hbm>> -> memref<512xf32, #tpu.memory_space<hbm>>
        tpu.enqueue_dma source(%dma_start3A_92 : memref<512xf32, #tpu.memory_space<hbm>>) target(%arg7 : memref<512xf32, #tpu.memory_space<vmem>>) target_semaphore(%run_scoped3A : memref<!tpu.dma_semaphore, #tpu.memory_space<semaphore_mem>>)
        %dma_wait3A_93 = arith.constant 0 : i32
        %dma_wait3A_94 = tpu.memref_slice %arg2[%add3A_52, %dma_wait3A_93] : memref<256x512xf32, #tpu.memory_space<hbm>> -> memref<1x512xf32, #tpu.memory_space<hbm>>
        %dma_wait3A_95 = tpu.memref_squeeze %dma_wait3A_94 : memref<1x512xf32, #tpu.memory_space<hbm>> -> memref<512xf32, #tpu.memory_space<hbm>>
        %dma_wait3A_96 = arith.constant 0 : i32
        %dma_wait3A_97 = tpu.memref_slice %arg2[%add3A_52, %dma_wait3A_96] : memref<256x512xf32, #tpu.memory_space<hbm>> -> memref<1x512xf32, #tpu.memory_space<hbm>>
        %dma_wait3A_98 = tpu.memref_squeeze %dma_wait3A_97 : memref<1x512xf32, #tpu.memory_space<hbm>> -> memref<512xf32, #tpu.memory_space<hbm>>
        tpu.wait_dma2 semaphore(%run_scoped3A : memref<!tpu.dma_semaphore, #tpu.memory_space<semaphore_mem>>) src(%dma_wait3A_98 : memref<512xf32, #tpu.memory_space<hbm>>) dst(%arg7 : memref<512xf32, #tpu.memory_space<vmem>>)
        tpu.yield
      }) : () -> ()
      %swap3A_53 = arith.constant 0 : index
      %swap3A_54 = tpu.vector_load %arg11[%swap3A_53] {strides = array<i32>} : memref<128xf32, #tpu.memory_space<vmem>>, vector<16xf32>,
      tpu.vector_store %arg11[%swap3A_53], %broadcast_in_dim3A_1 {strides = array<i32>} : memref<128xf32, #tpu.memory_space<vmem>>, vector<16xf32>,
      %swap3A_55 = arith.constant 0 : index
      %swap3A_56 = tpu.vector_load %arg9[%swap3A_55] {strides = array<i32>} : memref<64xi32, #tpu.memory_space<vmem>>, vector<16xi32>,
      tpu.vector_store %arg9[%swap3A_55], %broadcast_in_dim3A_3 {strides = array<i32>} : memref<64xi32, #tpu.memory_space<vmem>>, vector<16xi32>,
      %swap3A_57 = arith.constant 16 : index
      %swap3A_58 = tpu.vector_load %arg11[%swap3A_57] {strides = array<i32>} : memref<128xf32, #tpu.memory_space<vmem>>, vector<16xf32>,
      tpu.vector_store %arg11[%swap3A_57], %broadcast_in_dim3A_1 {strides = array<i32>} : memref<128xf32, #tpu.memory_space<vmem>>, vector<16xf32>,
      %swap3A_59 = arith.constant 16 : index
      %swap3A_60 = tpu.vector_load %arg9[%swap3A_59] {strides = array<i32>} : memref<64xi32, #tpu.memory_space<vmem>>, vector<16xi32>,
      tpu.vector_store %arg9[%swap3A_59], %broadcast_in_dim3A_3 {strides = array<i32>} : memref<64xi32, #tpu.memory_space<vmem>>, vector<16xi32>,
      %swap3A_61 = arith.constant 32 : index
      %swap3A_62 = tpu.vector_load %arg11[%swap3A_61] {strides = array<i32>} : memref<128xf32, #tpu.memory_space<vmem>>, vector<16xf32>,
      tpu.vector_store %arg11[%swap3A_61], %broadcast_in_dim3A_1 {strides = array<i32>} : memref<128xf32, #tpu.memory_space<vmem>>, vector<16xf32>,
      %swap3A_63 = arith.constant 32 : index
      %swap3A_64 = tpu.vector_load %arg9[%swap3A_63] {strides = array<i32>} : memref<64xi32, #tpu.memory_space<vmem>>, vector<16xi32>,
      tpu.vector_store %arg9[%swap3A_63], %broadcast_in_dim3A_3 {strides = array<i32>} : memref<64xi32, #tpu.memory_space<vmem>>, vector<16xi32>,
      %swap3A_65 = arith.constant 48 : index
      %swap3A_66 = tpu.vector_load %arg11[%swap3A_65] {strides = array<i32>} : memref<128xf32, #tpu.memory_space<vmem>>, vector<16xf32>,
      tpu.vector_store %arg11[%swap3A_65], %broadcast_in_dim3A_1 {strides = array<i32>} : memref<128xf32, #tpu.memory_space<vmem>>, vector<16xf32>,
      %swap3A_67 = arith.constant 48 : index
      %swap3A_68 = tpu.vector_load %arg9[%swap3A_67] {strides = array<i32>} : memref<64xi32, #tpu.memory_space<vmem>>, vector<16xi32>,
      tpu.vector_store %arg9[%swap3A_67], %broadcast_in_dim3A_3 {strides = array<i32>} : memref<64xi32, #tpu.memory_space<vmem>>, vector<16xi32>,
      %broadcast_in_dim3A_69 = arith.constant 0 : i32
      %broadcast_in_dim3A_70 = vector.broadcast %broadcast_in_dim3A_69 : i32 to vector<16xi32>
      %scan3A_71 = arith.constant 0 : i32
      %scan3A_72 = arith.constant 32 : i32
      %scan3A_73 = arith.addi %scan3A_71, %scan3A_72 : i32
      %scan3A_74 = arith.constant 1 : i32
      %scan3A_75 = scf.for %scan3A_87 = %scan3A_71 to %scan3A_73 step %scan3A_74 iter_args(%scan3A_88 = %broadcast_in_dim3A_70) -> (vector<16xi32>)  : i32 {
        %mul3A_89 = arith.constant 16 : i32
        %mul3A_90 = arith.muli %scan3A_87, %mul3A_89 : i32
        %get3A = arith.index_cast %mul3A_90 : i32 to index
        %get3A_91 = tpu.vector_load %arg7[%get3A] {strides = array<i32>} : memref<512xf32, #tpu.memory_space<vmem>>, vector<16xf32>,
        %gt3A = arith.constant 0.000000e+00 : f32
        %gt3A_92 = vector.broadcast %gt3A : f32 to vector<16xf32>
        %gt3A_93 = arith.cmpf ogt, %get3A_91, %gt3A_92 : vector<16xf32>
        %convert_element_type3A = arith.extui %gt3A_93 : vector<16xi1> to vector<16xi32>
        %broadcast_in_dim3A_94 = arith.constant true
        %broadcast_in_dim3A_95 = vector.broadcast %broadcast_in_dim3A_94 : i1 to vector<16xi1>
        %masked_cumsum3A = tpu.scan <sum>, %convert_element_type3A masked %broadcast_in_dim3A_95 : vector<16xi32>, vector<16xi1> -> vector<16xi32>
        %add3A_96 = arith.addi %scan3A_88, %masked_cumsum3A : vector<16xi32>
        %sub3A = arith.constant 1 : i32
        %sub3A_97 = vector.broadcast %sub3A : i32 to vector<16xi32>
        %sub3A_98 = arith.subi %add3A_96, %sub3A_97 : vector<16xi32>
        %lt3A = arith.constant 64 : i32
        %lt3A_99 = vector.broadcast %lt3A : i32 to vector<16xi32>
        %lt3A_100 = arith.cmpi slt, %sub3A_98, %lt3A_99 : vector<16xi32>
        %and3A = arith.andi %gt3A_93, %lt3A_100 : vector<16xi1>
        %mul3A_101 = arith.constant 512 : i32
        %mul3A_102 = vector.broadcast %mul3A_101 : i32 to vector<16xi32>
        %mul3A_103 = arith.muli %gather3A, %mul3A_102 : vector<16xi32>
        %mul3A_104 = arith.constant 16 : i32
        %mul3A_105 = arith.muli %scan3A_87, %mul3A_104 : i32
        %add3A_106 = vector.broadcast %mul3A_105 : i32 to vector<16xi32>
        %add3A_107 = arith.addi %mul3A_103, %add3A_106 : vector<16xi32>
        %add3A_108 = arith.addi %add3A_107, %iota3A : vector<16xi32>
        tpu.vector_store_idx %arg9[%sub3A_98], %add3A_108 masked %and3A : memref<64xi32, #tpu.memory_space<vmem>>[vector<16xi32>], vector<16xi32>, vector<16xi1>
        tpu.vector_store_idx %arg11[%sub3A_98], %get3A_91 masked %and3A : memref<128xf32, #tpu.memory_space<vmem>>[vector<16xi32>], vector<16xf32>, vector<16xi1>
        %all_reduce_population_count3A = tpu.all_reduce %gt3A_93 {dim = 0 : i64, kind = #tpu.reduction_kind<sum>} : vector<16xi1> -> vector<16xi32>
        %add3A_109 = arith.addi %scan3A_88, %all_reduce_population_count3A : vector<16xi32>
        scf.yield %add3A_109 : vector<16xi32>
      }
      %scan3A_76 = arith.constant 32 : i32
      %dma_start3A = arith.constant 0 : i32
      %dma_start3A_77 = arith.constant 0 : i32
      %dma_start3A_78 = tpu.memref_slice %arg3[%dma_start3A, %dma_start3A_77] : memref<262144x128xf32, #tpu.memory_space<hbm>> -> memref<262144x128xf32, #tpu.memory_space<hbm>>
      tpu.enqueue_indirect_dma source(%dma_start3A_78 : memref<262144x128xf32, #tpu.memory_space<hbm>>) target(%arg13 : memref<64x128xf32, #tpu.memory_space<vmem>>) offsets(%arg9 : memref<64xi32, #tpu.memory_space<vmem>>) semaphore(%arg16 : memref<!tpu.dma_semaphore, #tpu.memory_space<semaphore_mem>>)
      %dma_wait3A = arith.constant 0 : i32
      %dma_wait3A_79 = arith.constant 0 : i32
      %dma_wait3A_80 = tpu.memref_slice %arg3[%dma_wait3A, %dma_wait3A_79] : memref<262144x128xf32, #tpu.memory_space<hbm>> -> memref<262144x128xf32, #tpu.memory_space<hbm>>
      tpu.wait_indirect_dma semaphore(%arg16 : memref<!tpu.dma_semaphore, #tpu.memory_space<semaphore_mem>>) src(%dma_wait3A_80 : memref<262144x128xf32, #tpu.memory_space<hbm>>) dst(%arg13 : memref<64x128xf32, #tpu.memory_space<vmem>>)
      %scan3A_81 = arith.constant 0 : i32
      %scan3A_82 = arith.constant 32 : i32
      %scan3A_83 = arith.addi %scan3A_81, %scan3A_82 : i32
      %scan3A_84 = arith.constant 1 : i32
      %scan3A_85:8 = scf.for %scan3A_87 = %scan3A_81 to %scan3A_83 step %scan3A_84 iter_args(%scan3A_88 = %scan3A_41, %scan3A_89 = %scan3A_42, %scan3A_90 = %scan3A_43, %scan3A_91 = %scan3A_44, %scan3A_92 = %scan3A_45, %scan3A_93 = %scan3A_46, %scan3A_94 = %scan3A_47, %scan3A_95 = %scan3A_48) -> (vector<16xf32>, vector<16xf32>, vector<16xf32>, vector<16xf32>, vector<16xf32>, vector<16xf32>, vector<16xf32>, vector<16xf32>)  : i32 {
        %mul3A_96 = arith.constant 2 : i32
        %mul3A_97 = arith.muli %scan3A_87, %mul3A_96 : i32
        %mul3A_98 = arith.constant 2 : i32
        %mul3A_99 = arith.muli %scan3A_87, %mul3A_98 : i32
        %add3A_100 = arith.constant 1 : i32
        %add3A_101 = arith.addi %mul3A_99, %add3A_100 : i32
        %broadcast_in_dim3A_102 = vector.broadcast %mul3A_97 : i32 to vector<16xi32>
        %gather3A_103 = tpu.vector_load_idx %arg11[%broadcast_in_dim3A_102] : memref<128xf32, #tpu.memory_space<vmem>>[vector<16xi32>], vector<16xf32>,
        %get3A = arith.index_cast %mul3A_97 : i32 to index
        %get3A_104 = arith.constant 0 : index
        %get3A_105 = tpu.vector_load %arg13[%get3A, %get3A_104] {strides = array<i32>} : memref<64x128xf32, #tpu.memory_space<vmem>>, vector<16xf32>,
        %mul3A_106 = arith.mulf %gather3A_103, %get3A_105 : vector<16xf32>
        %add3A_107 = arith.addf %scan3A_88, %mul3A_106 : vector<16xf32>
        %get3A_108 = arith.index_cast %mul3A_97 : i32 to index
        %get3A_109 = arith.constant 16 : index
        %get3A_110 = tpu.vector_load %arg13[%get3A_108, %get3A_109] {strides = array<i32>} : memref<64x128xf32, #tpu.memory_space<vmem>>, vector<16xf32>,
        %mul3A_111 = arith.mulf %gather3A_103, %get3A_110 : vector<16xf32>
        %add3A_112 = arith.addf %scan3A_89, %mul3A_111 : vector<16xf32>
        %get3A_113 = arith.index_cast %mul3A_97 : i32 to index
        %get3A_114 = arith.constant 32 : index
        %get3A_115 = tpu.vector_load %arg13[%get3A_113, %get3A_114] {strides = array<i32>} : memref<64x128xf32, #tpu.memory_space<vmem>>, vector<16xf32>,
        %mul3A_116 = arith.mulf %gather3A_103, %get3A_115 : vector<16xf32>
        %add3A_117 = arith.addf %scan3A_90, %mul3A_116 : vector<16xf32>
        %get3A_118 = arith.index_cast %mul3A_97 : i32 to index
        %get3A_119 = arith.constant 48 : index
        %get3A_120 = tpu.vector_load %arg13[%get3A_118, %get3A_119] {strides = array<i32>} : memref<64x128xf32, #tpu.memory_space<vmem>>, vector<16xf32>,
        %mul3A_121 = arith.mulf %gather3A_103, %get3A_120 : vector<16xf32>
        %add3A_122 = arith.addf %scan3A_91, %mul3A_121 : vector<16xf32>
        %get3A_123 = arith.index_cast %mul3A_97 : i32 to index
        %get3A_124 = arith.constant 64 : index
        %get3A_125 = tpu.vector_load %arg13[%get3A_123, %get3A_124] {strides = array<i32>} : memref<64x128xf32, #tpu.memory_space<vmem>>, vector<16xf32>,
        %mul3A_126 = arith.mulf %gather3A_103, %get3A_125 : vector<16xf32>
        %add3A_127 = arith.addf %scan3A_92, %mul3A_126 : vector<16xf32>
        %get3A_128 = arith.index_cast %mul3A_97 : i32 to index
        %get3A_129 = arith.constant 80 : index
        %get3A_130 = tpu.vector_load %arg13[%get3A_128, %get3A_129] {strides = array<i32>} : memref<64x128xf32, #tpu.memory_space<vmem>>, vector<16xf32>,
        %mul3A_131 = arith.mulf %gather3A_103, %get3A_130 : vector<16xf32>
        %add3A_132 = arith.addf %scan3A_93, %mul3A_131 : vector<16xf32>
        %get3A_133 = arith.index_cast %mul3A_97 : i32 to index
        %get3A_134 = arith.constant 96 : index
        %get3A_135 = tpu.vector_load %arg13[%get3A_133, %get3A_134] {strides = array<i32>} : memref<64x128xf32, #tpu.memory_space<vmem>>, vector<16xf32>,
        %mul3A_136 = arith.mulf %gather3A_103, %get3A_135 : vector<16xf32>
        %add3A_137 = arith.addf %scan3A_94, %mul3A_136 : vector<16xf32>
        %get3A_138 = arith.index_cast %mul3A_97 : i32 to index
        %get3A_139 = arith.constant 112 : index
        %get3A_140 = tpu.vector_load %arg13[%get3A_138, %get3A_139] {strides = array<i32>} : memref<64x128xf32, #tpu.memory_space<vmem>>, vector<16xf32>,
        %mul3A_141 = arith.mulf %gather3A_103, %get3A_140 : vector<16xf32>
        %add3A_142 = arith.addf %scan3A_95, %mul3A_141 : vector<16xf32>
        %broadcast_in_dim3A_143 = vector.broadcast %add3A_101 : i32 to vector<16xi32>
        %gather3A_144 = tpu.vector_load_idx %arg11[%broadcast_in_dim3A_143] : memref<128xf32, #tpu.memory_space<vmem>>[vector<16xi32>], vector<16xf32>,
        %get3A_145 = arith.index_cast %add3A_101 : i32 to index
        %get3A_146 = arith.constant 0 : index
        %get3A_147 = tpu.vector_load %arg13[%get3A_145, %get3A_146] {strides = array<i32>} : memref<64x128xf32, #tpu.memory_space<vmem>>, vector<16xf32>,
        %mul3A_148 = arith.mulf %gather3A_144, %get3A_147 : vector<16xf32>
        %add3A_149 = arith.addf %add3A_107, %mul3A_148 : vector<16xf32>
        %get3A_150 = arith.index_cast %add3A_101 : i32 to index
        %get3A_151 = arith.constant 16 : index
        %get3A_152 = tpu.vector_load %arg13[%get3A_150, %get3A_151] {strides = array<i32>} : memref<64x128xf32, #tpu.memory_space<vmem>>, vector<16xf32>,
        %mul3A_153 = arith.mulf %gather3A_144, %get3A_152 : vector<16xf32>
        %add3A_154 = arith.addf %add3A_112, %mul3A_153 : vector<16xf32>
        %get3A_155 = arith.index_cast %add3A_101 : i32 to index
        %get3A_156 = arith.constant 32 : index
        %get3A_157 = tpu.vector_load %arg13[%get3A_155, %get3A_156] {strides = array<i32>} : memref<64x128xf32, #tpu.memory_space<vmem>>, vector<16xf32>,
        %mul3A_158 = arith.mulf %gather3A_144, %get3A_157 : vector<16xf32>
        %add3A_159 = arith.addf %add3A_117, %mul3A_158 : vector<16xf32>
        %get3A_160 = arith.index_cast %add3A_101 : i32 to index
        %get3A_161 = arith.constant 48 : index
        %get3A_162 = tpu.vector_load %arg13[%get3A_160, %get3A_161] {strides = array<i32>} : memref<64x128xf32, #tpu.memory_space<vmem>>, vector<16xf32>,
        %mul3A_163 = arith.mulf %gather3A_144, %get3A_162 : vector<16xf32>
        %add3A_164 = arith.addf %add3A_122, %mul3A_163 : vector<16xf32>
        %get3A_165 = arith.index_cast %add3A_101 : i32 to index
        %get3A_166 = arith.constant 64 : index
        %get3A_167 = tpu.vector_load %arg13[%get3A_165, %get3A_166] {strides = array<i32>} : memref<64x128xf32, #tpu.memory_space<vmem>>, vector<16xf32>,
        %mul3A_168 = arith.mulf %gather3A_144, %get3A_167 : vector<16xf32>
        %add3A_169 = arith.addf %add3A_127, %mul3A_168 : vector<16xf32>
        %get3A_170 = arith.index_cast %add3A_101 : i32 to index
        %get3A_171 = arith.constant 80 : index
        %get3A_172 = tpu.vector_load %arg13[%get3A_170, %get3A_171] {strides = array<i32>} : memref<64x128xf32, #tpu.memory_space<vmem>>, vector<16xf32>,
        %mul3A_173 = arith.mulf %gather3A_144, %get3A_172 : vector<16xf32>
        %add3A_174 = arith.addf %add3A_132, %mul3A_173 : vector<16xf32>
        %get3A_175 = arith.index_cast %add3A_101 : i32 to index
        %get3A_176 = arith.constant 96 : index
        %get3A_177 = tpu.vector_load %arg13[%get3A_175, %get3A_176] {strides = array<i32>} : memref<64x128xf32, #tpu.memory_space<vmem>>, vector<16xf32>,
        %mul3A_178 = arith.mulf %gather3A_144, %get3A_177 : vector<16xf32>
        %add3A_179 = arith.addf %add3A_137, %mul3A_178 : vector<16xf32>
        %get3A_180 = arith.index_cast %add3A_101 : i32 to index
        %get3A_181 = arith.constant 112 : index
        %get3A_182 = tpu.vector_load %arg13[%get3A_180, %get3A_181] {strides = array<i32>} : memref<64x128xf32, #tpu.memory_space<vmem>>, vector<16xf32>,
        %mul3A_183 = arith.mulf %gather3A_144, %get3A_182 : vector<16xf32>
        %add3A_184 = arith.addf %add3A_142, %mul3A_183 : vector<16xf32>
        scf.yield %add3A_149, %add3A_154, %add3A_159, %add3A_164, %add3A_169, %add3A_174, %add3A_179, %add3A_184 : vector<16xf32>, vector<16xf32>, vector<16xf32>, vector<16xf32>, vector<16xf32>, vector<16xf32>, vector<16xf32>, vector<16xf32>
      }
      %scan3A_86 = arith.constant 32 : i32
      scf.yield %scan3A_85#0, %scan3A_85#1, %scan3A_85#2, %scan3A_85#3, %scan3A_85#4, %scan3A_85#5, %scan3A_85#6, %scan3A_85#7 : vector<16xf32>, vector<16xf32>, vector<16xf32>, vector<16xf32>, vector<16xf32>, vector<16xf32>, vector<16xf32>, vector<16xf32>
    }
    %scan3A_24 = arith.constant 8 : i32
    %swap3A = arith.constant 0 : index
    %swap3A_25 = tpu.vector_load %arg15[%swap3A] {strides = array<i32>} : memref<128xf32, #tpu.memory_space<vmem>>, vector<16xf32>,
    tpu.vector_store %arg15[%swap3A], %scan3A_23#0 {strides = array<i32>} : memref<128xf32, #tpu.memory_space<vmem>>, vector<16xf32>,
    %swap3A_26 = arith.constant 16 : index
    %swap3A_27 = tpu.vector_load %arg15[%swap3A_26] {strides = array<i32>} : memref<128xf32, #tpu.memory_space<vmem>>, vector<16xf32>,
    tpu.vector_store %arg15[%swap3A_26], %scan3A_23#1 {strides = array<i32>} : memref<128xf32, #tpu.memory_space<vmem>>, vector<16xf32>,
    %swap3A_28 = arith.constant 32 : index
    %swap3A_29 = tpu.vector_load %arg15[%swap3A_28] {strides = array<i32>} : memref<128xf32, #tpu.memory_space<vmem>>, vector<16xf32>,
    tpu.vector_store %arg15[%swap3A_28], %scan3A_23#2 {strides = array<i32>} : memref<128xf32, #tpu.memory_space<vmem>>, vector<16xf32>,
    %swap3A_30 = arith.constant 48 : index
    %swap3A_31 = tpu.vector_load %arg15[%swap3A_30] {strides = array<i32>} : memref<128xf32, #tpu.memory_space<vmem>>, vector<16xf32>,
    tpu.vector_store %arg15[%swap3A_30], %scan3A_23#3 {strides = array<i32>} : memref<128xf32, #tpu.memory_space<vmem>>, vector<16xf32>,
    %swap3A_32 = arith.constant 64 : index
    %swap3A_33 = tpu.vector_load %arg15[%swap3A_32] {strides = array<i32>} : memref<128xf32, #tpu.memory_space<vmem>>, vector<16xf32>,
    tpu.vector_store %arg15[%swap3A_32], %scan3A_23#4 {strides = array<i32>} : memref<128xf32, #tpu.memory_space<vmem>>, vector<16xf32>,
    %swap3A_34 = arith.constant 80 : index
    %swap3A_35 = tpu.vector_load %arg15[%swap3A_34] {strides = array<i32>} : memref<128xf32, #tpu.memory_space<vmem>>, vector<16xf32>,
    tpu.vector_store %arg15[%swap3A_34], %scan3A_23#5 {strides = array<i32>} : memref<128xf32, #tpu.memory_space<vmem>>, vector<16xf32>,
    %swap3A_36 = arith.constant 96 : index
    %swap3A_37 = tpu.vector_load %arg15[%swap3A_36] {strides = array<i32>} : memref<128xf32, #tpu.memory_space<vmem>>, vector<16xf32>,
    tpu.vector_store %arg15[%swap3A_36], %scan3A_23#6 {strides = array<i32>} : memref<128xf32, #tpu.memory_space<vmem>>, vector<16xf32>,
    %swap3A_38 = arith.constant 112 : index
    %swap3A_39 = tpu.vector_load %arg15[%swap3A_38] {strides = array<i32>} : memref<128xf32, #tpu.memory_space<vmem>>, vector<16xf32>,
    tpu.vector_store %arg15[%swap3A_38], %scan3A_23#7 {strides = array<i32>} : memref<128xf32, #tpu.memory_space<vmem>>, vector<16xf32>,
    "tpu.region"() ({
      %run_scoped3A = tpu.sem_alloc : memref<!tpu.dma_semaphore, #tpu.memory_space<semaphore_mem>>
      %dma_start3A = arith.constant 0 : i32
      %dma_start3A_40 = tpu.memref_slice %arg5[%add3A, %dma_start3A] : memref<32x128xf32, #tpu.memory_space<hbm>> -> memref<1x128xf32, #tpu.memory_space<hbm>>
      %dma_start3A_41 = tpu.memref_squeeze %dma_start3A_40 : memref<1x128xf32, #tpu.memory_space<hbm>> -> memref<128xf32, #tpu.memory_space<hbm>>
      %dma_start3A_42 = arith.constant 0 : i32
      %dma_start3A_43 = tpu.memref_slice %arg5[%add3A, %dma_start3A_42] : memref<32x128xf32, #tpu.memory_space<hbm>> -> memref<1x128xf32, #tpu.memory_space<hbm>>
      %dma_start3A_44 = tpu.memref_squeeze %dma_start3A_43 : memref<1x128xf32, #tpu.memory_space<hbm>> -> memref<128xf32, #tpu.memory_space<hbm>>
      tpu.enqueue_dma source(%arg15 : memref<128xf32, #tpu.memory_space<vmem>>) target(%dma_start3A_44 : memref<128xf32, #tpu.memory_space<hbm>>) target_semaphore(%run_scoped3A : memref<!tpu.dma_semaphore, #tpu.memory_space<semaphore_mem>>)
      %dma_wait3A = arith.constant 0 : i32
      %dma_wait3A_45 = tpu.memref_slice %arg5[%add3A, %dma_wait3A] : memref<32x128xf32, #tpu.memory_space<hbm>> -> memref<1x128xf32, #tpu.memory_space<hbm>>
      %dma_wait3A_46 = tpu.memref_squeeze %dma_wait3A_45 : memref<1x128xf32, #tpu.memory_space<hbm>> -> memref<128xf32, #tpu.memory_space<hbm>>
      %dma_wait3A_47 = arith.constant 0 : i32
      %dma_wait3A_48 = tpu.memref_slice %arg5[%add3A, %dma_wait3A_47] : memref<32x128xf32, #tpu.memory_space<hbm>> -> memref<1x128xf32, #tpu.memory_space<hbm>>
      %dma_wait3A_49 = tpu.memref_squeeze %dma_wait3A_48 : memref<1x128xf32, #tpu.memory_space<hbm>> -> memref<128xf32, #tpu.memory_space<hbm>>
      tpu.wait_dma2 semaphore(%run_scoped3A : memref<!tpu.dma_semaphore, #tpu.memory_space<semaphore_mem>>) src(%arg15 : memref<128xf32, #tpu.memory_space<vmem>>) dst(%dma_wait3A_49 : memref<128xf32, #tpu.memory_space<hbm>>)
      tpu.yield
    }) : () -> ()
    return
  }
}

module attributes {stable_mosaic.version = 14 : i64} {
  func.func @_score_body(%arg0: i32, %arg1: memref<256xi32, #tpu.memory_space<smem>>, %arg2: memref<1x512x128xf32, #tpu.memory_space<vmem>>, %arg3: memref<1x512x128xf32, #tpu.memory_space<vmem>>, %arg4: memref<1x512x128xf32, #tpu.memory_space<vmem>>, %arg5: memref<1x512x128xf32, #tpu.memory_space<vmem>>, %arg6: memref<1x512x128xf32, #tpu.memory_space<vmem>>, %arg7: memref<1x512x128xf32, #tpu.memory_space<vmem>>, %arg8: memref<1x512x128xf32, #tpu.memory_space<vmem>>, %arg9: memref<1x512x128xf32, #tpu.memory_space<vmem>>, %arg10: memref<1x512x128xf32, #tpu.memory_space<vmem>>, %arg11: memref<1x512x128xf32, #tpu.memory_space<vmem>>, %arg12: memref<1x512x128xf32, #tpu.memory_space<vmem>>, %arg13: memref<1x512x128xf32, #tpu.memory_space<vmem>>, %arg14: memref<1x512x128xf32, #tpu.memory_space<vmem>>, %arg15: memref<1x512x128xf32, #tpu.memory_space<vmem>>, %arg16: memref<1x512x128xf32, #tpu.memory_space<vmem>>, %arg17: memref<1x512x128xf32, #tpu.memory_space<vmem>>, %arg18: memref<1x512x128xf32, #tpu.memory_space<vmem>>, %arg19: memref<1x512x128xf32, #tpu.memory_space<vmem>>, %arg20: memref<1x512x128xf32, #tpu.memory_space<vmem>>, %arg21: memref<1x512x128xf32, #tpu.memory_space<vmem>>, %arg22: memref<1x512x128xf32, #tpu.memory_space<vmem>>, %arg23: memref<1x512x128xf32, #tpu.memory_space<vmem>>, %arg24: memref<1x512x128xf32, #tpu.memory_space<vmem>>, %arg25: memref<1x512x128xf32, #tpu.memory_space<vmem>>, %arg26: memref<1x512x128xf32, #tpu.memory_space<vmem>>, %arg27: memref<1x512x128xf32, #tpu.memory_space<vmem>>, %arg28: memref<1x512x128xf32, #tpu.memory_space<vmem>>, %arg29: memref<1x512x128xf32, #tpu.memory_space<vmem>>, %arg30: memref<1x512x128xf32, #tpu.memory_space<vmem>>, %arg31: memref<1x512x128xf32, #tpu.memory_space<vmem>>, %arg32: memref<1x512x128xf32, #tpu.memory_space<vmem>>, %arg33: memref<1x512x128xf32, #tpu.memory_space<vmem>>, %arg34: memref<128x128xf32, #tpu.memory_space<vmem>>, %arg35: memref<1x4x128xf32, #tpu.memory_space<vmem>>, %arg36: memref<1x32x512xf32, #tpu.memory_space<vmem>>) attributes {dimension_semantics = [#tpu.dimension_semantics<arbitrary>], iteration_bounds = array<i64: 8>, scalar_prefetch = 1 : i64, scratch_operands = 0 : i64, tpu.core_type = #tpu.core_type<tc>, window_params = [{transform_indices = @transform_0, window_bounds = array<i64: 1, 512, 128>}, {transform_indices = @transform_1, window_bounds = array<i64: 1, 512, 128>}, {transform_indices = @transform_2, window_bounds = array<i64: 1, 512, 128>}, {transform_indices = @transform_3, window_bounds = array<i64: 1, 512, 128>}, {transform_indices = @transform_4, window_bounds = array<i64: 1, 512, 128>}, {transform_indices = @transform_5, window_bounds = array<i64: 1, 512, 128>}, {transform_indices = @transform_6, window_bounds = array<i64: 1, 512, 128>}, {transform_indices = @transform_7, window_bounds = array<i64: 1, 512, 128>}, {transform_indices = @transform_8, window_bounds = array<i64: 1, 512, 128>}, {transform_indices = @transform_9, window_bounds = array<i64: 1, 512, 128>}, {transform_indices = @transform_10, window_bounds = array<i64: 1, 512, 128>}, {transform_indices = @transform_11, window_bounds = array<i64: 1, 512, 128>}, {transform_indices = @transform_12, window_bounds = array<i64: 1, 512, 128>}, {transform_indices = @transform_13, window_bounds = array<i64: 1, 512, 128>}, {transform_indices = @transform_14, window_bounds = array<i64: 1, 512, 128>}, {transform_indices = @transform_15, window_bounds = array<i64: 1, 512, 128>}, {transform_indices = @transform_16, window_bounds = array<i64: 1, 512, 128>}, {transform_indices = @transform_17, window_bounds = array<i64: 1, 512, 128>}, {transform_indices = @transform_18, window_bounds = array<i64: 1, 512, 128>}, {transform_indices = @transform_19, window_bounds = array<i64: 1, 512, 128>}, {transform_indices = @transform_20, window_bounds = array<i64: 1, 512, 128>}, {transform_indices = @transform_21, window_bounds = array<i64: 1, 512, 128>}, {transform_indices = @transform_22, window_bounds = array<i64: 1, 512, 128>}, {transform_indices = @transform_23, window_bounds = array<i64: 1, 512, 128>}, {transform_indices = @transform_24, window_bounds = array<i64: 1, 512, 128>}, {transform_indices = @transform_25, window_bounds = array<i64: 1, 512, 128>}, {transform_indices = @transform_26, window_bounds = array<i64: 1, 512, 128>}, {transform_indices = @transform_27, window_bounds = array<i64: 1, 512, 128>}, {transform_indices = @transform_28, window_bounds = array<i64: 1, 512, 128>}, {transform_indices = @transform_29, window_bounds = array<i64: 1, 512, 128>}, {transform_indices = @transform_30, window_bounds = array<i64: 1, 512, 128>}, {transform_indices = @transform_31, window_bounds = array<i64: 1, 512, 128>}, {pipeline_mode = #tpu.pipeline_mode<synchronous>, transform_indices = @transform_32, window_bounds = array<i64: 128, 128>}, {transform_indices = @transform_33, window_bounds = array<i64: 1, 4, 128>}, {transform_indices = @transform_34, window_bounds = array<i64: 1, 32, 512>}]} {
    %get3A = arith.constant 0 : index
    %get3A_0 = arith.constant 0 : index
    %get3A_1 = vector.load %arg34[%get3A, %get3A_0] : memref<128x128xf32, #tpu.memory_space<vmem>>, vector<128x128xf32>
    %get3A_2 = arith.constant 0 : index
    %get3A_3 = arith.constant 0 : index
    %get3A_4 = arith.constant 0 : index
    %get3A_5 = vector.load %arg35[%get3A_2, %get3A_3, %get3A_4] : memref<1x4x128xf32, #tpu.memory_space<vmem>>, vector<1x1x128xf32>
    %get3A_6 = vector.shape_cast %get3A_5 : vector<1x1x128xf32> to vector<1x128xf32>
    %get3A_7 = arith.constant 0 : index
    %get3A_8 = arith.constant 0 : index
    %get3A_9 = arith.constant 0 : index
    %get3A_10 = vector.load %arg2[%get3A_7, %get3A_8, %get3A_9] : memref<1x512x128xf32, #tpu.memory_space<vmem>>, vector<1x512x128xf32>
    %get3A_11 = vector.shape_cast %get3A_10 : vector<1x512x128xf32> to vector<512x128xf32>
    %dot_general3A = arith.constant dense<0.000000e+00> : vector<512x128xf32>
    %dot_general3A_12 = tpu.matmul %get3A_11, %get3A_1, %dot_general3A {dimension_numbers = #tpu.dot_dimension_numbers<[1], [0], [0], [1], [0, 0, 1, 1], [], []>, transpose_lhs_hint = false} : vector<512x128xf32>, vector<128x128xf32>, vector<512x128xf32> -> vector<512x128xf32>
    %dot_general3A_13 = arith.constant dense<0.000000e+00> : vector<1x512xf32>
    %dot_general3A_14 = tpu.matmul %get3A_6, %dot_general3A_12, %dot_general3A_13 {dimension_numbers = #tpu.dot_dimension_numbers<[1], [1], [0], [0], [0, 0, 1, 0], [], []>, transpose_lhs_hint = false} : vector<1x128xf32>, vector<512x128xf32>, vector<1x512xf32> -> vector<1x512xf32>
    %mul3A = arith.constant 0.0883883461 : f32
    %mul3A_15 = vector.broadcast %mul3A : f32 to vector<1x512xf32>
    %mul3A_16 = arith.mulf %dot_general3A_14, %mul3A_15 : vector<1x512xf32>
    %squeeze3A = vector.shape_cast %mul3A_16 : vector<1x512xf32> to vector<512xf32>
    %swap3A = arith.constant 0 : index
    %swap3A_17 = arith.constant 0 : index
    %swap3A_18 = arith.constant 0 : index
    %swap3A_19 = vector.load %arg36[%swap3A, %swap3A_17, %swap3A_18] : memref<1x32x512xf32, #tpu.memory_space<vmem>>, vector<1x1x512xf32>
    %swap3A_20 = vector.shape_cast %swap3A_19 : vector<1x1x512xf32> to vector<512xf32>
    %swap3A_21 = vector.shape_cast %squeeze3A : vector<512xf32> to vector<1x1x512xf32>
    tpu.vector_store %arg36[%swap3A, %swap3A_17, %swap3A_18], %swap3A_21 {strides = array<i32>} : memref<1x32x512xf32, #tpu.memory_space<vmem>>, vector<1x1x512xf32>,
    %get3A_22 = arith.constant 0 : index
    %get3A_23 = arith.constant 0 : index
    %get3A_24 = arith.constant 0 : index
    %get3A_25 = vector.load %arg35[%get3A_22, %get3A_23, %get3A_24] : memref<1x4x128xf32, #tpu.memory_space<vmem>>, vector<1x1x128xf32>
    %get3A_26 = vector.shape_cast %get3A_25 : vector<1x1x128xf32> to vector<1x128xf32>
    %get3A_27 = arith.constant 0 : index
    %get3A_28 = arith.constant 0 : index
    %get3A_29 = arith.constant 0 : index
    %get3A_30 = vector.load %arg3[%get3A_27, %get3A_28, %get3A_29] : memref<1x512x128xf32, #tpu.memory_space<vmem>>, vector<1x512x128xf32>
    %get3A_31 = vector.shape_cast %get3A_30 : vector<1x512x128xf32> to vector<512x128xf32>
    %dot_general3A_32 = arith.constant dense<0.000000e+00> : vector<512x128xf32>
    %dot_general3A_33 = tpu.matmul %get3A_31, %get3A_1, %dot_general3A_32 {dimension_numbers = #tpu.dot_dimension_numbers<[1], [0], [0], [1], [0, 0, 1, 1], [], []>, transpose_lhs_hint = false} : vector<512x128xf32>, vector<128x128xf32>, vector<512x128xf32> -> vector<512x128xf32>
    %dot_general3A_34 = arith.constant dense<0.000000e+00> : vector<1x512xf32>
    %dot_general3A_35 = tpu.matmul %get3A_26, %dot_general3A_33, %dot_general3A_34 {dimension_numbers = #tpu.dot_dimension_numbers<[1], [1], [0], [0], [0, 0, 1, 0], [], []>, transpose_lhs_hint = false} : vector<1x128xf32>, vector<512x128xf32>, vector<1x512xf32> -> vector<1x512xf32>
    %mul3A_36 = arith.constant 0.0883883461 : f32
    %mul3A_37 = vector.broadcast %mul3A_36 : f32 to vector<1x512xf32>
    %mul3A_38 = arith.mulf %dot_general3A_35, %mul3A_37 : vector<1x512xf32>
    %squeeze3A_39 = vector.shape_cast %mul3A_38 : vector<1x512xf32> to vector<512xf32>
    %swap3A_40 = arith.constant 0 : index
    %swap3A_41 = arith.constant 1 : index
    %swap3A_42 = arith.constant 0 : index
    %swap3A_43 = vector.load %arg36[%swap3A_40, %swap3A_41, %swap3A_42] : memref<1x32x512xf32, #tpu.memory_space<vmem>>, vector<1x1x512xf32>
    %swap3A_44 = vector.shape_cast %swap3A_43 : vector<1x1x512xf32> to vector<512xf32>
    %swap3A_45 = vector.shape_cast %squeeze3A_39 : vector<512xf32> to vector<1x1x512xf32>
    tpu.vector_store %arg36[%swap3A_40, %swap3A_41, %swap3A_42], %swap3A_45 {strides = array<i32>} : memref<1x32x512xf32, #tpu.memory_space<vmem>>, vector<1x1x512xf32>,
    %get3A_46 = arith.constant 0 : index
    %get3A_47 = arith.constant 0 : index
    %get3A_48 = arith.constant 0 : index
    %get3A_49 = vector.load %arg35[%get3A_46, %get3A_47, %get3A_48] : memref<1x4x128xf32, #tpu.memory_space<vmem>>, vector<1x1x128xf32>
    %get3A_50 = vector.shape_cast %get3A_49 : vector<1x1x128xf32> to vector<1x128xf32>
    %get3A_51 = arith.constant 0 : index
    %get3A_52 = arith.constant 0 : index
    %get3A_53 = arith.constant 0 : index
    %get3A_54 = vector.load %arg4[%get3A_51, %get3A_52, %get3A_53] : memref<1x512x128xf32, #tpu.memory_space<vmem>>, vector<1x512x128xf32>
    %get3A_55 = vector.shape_cast %get3A_54 : vector<1x512x128xf32> to vector<512x128xf32>
    %dot_general3A_56 = arith.constant dense<0.000000e+00> : vector<512x128xf32>
    %dot_general3A_57 = tpu.matmul %get3A_55, %get3A_1, %dot_general3A_56 {dimension_numbers = #tpu.dot_dimension_numbers<[1], [0], [0], [1], [0, 0, 1, 1], [], []>, transpose_lhs_hint = false} : vector<512x128xf32>, vector<128x128xf32>, vector<512x128xf32> -> vector<512x128xf32>
    %dot_general3A_58 = arith.constant dense<0.000000e+00> : vector<1x512xf32>
    %dot_general3A_59 = tpu.matmul %get3A_50, %dot_general3A_57, %dot_general3A_58 {dimension_numbers = #tpu.dot_dimension_numbers<[1], [1], [0], [0], [0, 0, 1, 0], [], []>, transpose_lhs_hint = false} : vector<1x128xf32>, vector<512x128xf32>, vector<1x512xf32> -> vector<1x512xf32>
    %mul3A_60 = arith.constant 0.0883883461 : f32
    %mul3A_61 = vector.broadcast %mul3A_60 : f32 to vector<1x512xf32>
    %mul3A_62 = arith.mulf %dot_general3A_59, %mul3A_61 : vector<1x512xf32>
    %squeeze3A_63 = vector.shape_cast %mul3A_62 : vector<1x512xf32> to vector<512xf32>
    %swap3A_64 = arith.constant 0 : index
    %swap3A_65 = arith.constant 2 : index
    %swap3A_66 = arith.constant 0 : index
    %swap3A_67 = vector.load %arg36[%swap3A_64, %swap3A_65, %swap3A_66] : memref<1x32x512xf32, #tpu.memory_space<vmem>>, vector<1x1x512xf32>
    %swap3A_68 = vector.shape_cast %swap3A_67 : vector<1x1x512xf32> to vector<512xf32>
    %swap3A_69 = vector.shape_cast %squeeze3A_63 : vector<512xf32> to vector<1x1x512xf32>
    tpu.vector_store %arg36[%swap3A_64, %swap3A_65, %swap3A_66], %swap3A_69 {strides = array<i32>} : memref<1x32x512xf32, #tpu.memory_space<vmem>>, vector<1x1x512xf32>,
    %get3A_70 = arith.constant 0 : index
    %get3A_71 = arith.constant 0 : index
    %get3A_72 = arith.constant 0 : index
    %get3A_73 = vector.load %arg35[%get3A_70, %get3A_71, %get3A_72] : memref<1x4x128xf32, #tpu.memory_space<vmem>>, vector<1x1x128xf32>
    %get3A_74 = vector.shape_cast %get3A_73 : vector<1x1x128xf32> to vector<1x128xf32>
    %get3A_75 = arith.constant 0 : index
    %get3A_76 = arith.constant 0 : index
    %get3A_77 = arith.constant 0 : index
    %get3A_78 = vector.load %arg5[%get3A_75, %get3A_76, %get3A_77] : memref<1x512x128xf32, #tpu.memory_space<vmem>>, vector<1x512x128xf32>
    %get3A_79 = vector.shape_cast %get3A_78 : vector<1x512x128xf32> to vector<512x128xf32>
    %dot_general3A_80 = arith.constant dense<0.000000e+00> : vector<512x128xf32>
    %dot_general3A_81 = tpu.matmul %get3A_79, %get3A_1, %dot_general3A_80 {dimension_numbers = #tpu.dot_dimension_numbers<[1], [0], [0], [1], [0, 0, 1, 1], [], []>, transpose_lhs_hint = false} : vector<512x128xf32>, vector<128x128xf32>, vector<512x128xf32> -> vector<512x128xf32>
    %dot_general3A_82 = arith.constant dense<0.000000e+00> : vector<1x512xf32>
    %dot_general3A_83 = tpu.matmul %get3A_74, %dot_general3A_81, %dot_general3A_82 {dimension_numbers = #tpu.dot_dimension_numbers<[1], [1], [0], [0], [0, 0, 1, 0], [], []>, transpose_lhs_hint = false} : vector<1x128xf32>, vector<512x128xf32>, vector<1x512xf32> -> vector<1x512xf32>
    %mul3A_84 = arith.constant 0.0883883461 : f32
    %mul3A_85 = vector.broadcast %mul3A_84 : f32 to vector<1x512xf32>
    %mul3A_86 = arith.mulf %dot_general3A_83, %mul3A_85 : vector<1x512xf32>
    %squeeze3A_87 = vector.shape_cast %mul3A_86 : vector<1x512xf32> to vector<512xf32>
    %swap3A_88 = arith.constant 0 : index
    %swap3A_89 = arith.constant 3 : index
    %swap3A_90 = arith.constant 0 : index
    %swap3A_91 = vector.load %arg36[%swap3A_88, %swap3A_89, %swap3A_90] : memref<1x32x512xf32, #tpu.memory_space<vmem>>, vector<1x1x512xf32>
    %swap3A_92 = vector.shape_cast %swap3A_91 : vector<1x1x512xf32> to vector<512xf32>
    %swap3A_93 = vector.shape_cast %squeeze3A_87 : vector<512xf32> to vector<1x1x512xf32>
    tpu.vector_store %arg36[%swap3A_88, %swap3A_89, %swap3A_90], %swap3A_93 {strides = array<i32>} : memref<1x32x512xf32, #tpu.memory_space<vmem>>, vector<1x1x512xf32>,
    %get3A_94 = arith.constant 0 : index
    %get3A_95 = arith.constant 0 : index
    %get3A_96 = arith.constant 0 : index
    %get3A_97 = vector.load %arg35[%get3A_94, %get3A_95, %get3A_96] : memref<1x4x128xf32, #tpu.memory_space<vmem>>, vector<1x1x128xf32>
    %get3A_98 = vector.shape_cast %get3A_97 : vector<1x1x128xf32> to vector<1x128xf32>
    %get3A_99 = arith.constant 0 : index
    %get3A_100 = arith.constant 0 : index
    %get3A_101 = arith.constant 0 : index
    %get3A_102 = vector.load %arg6[%get3A_99, %get3A_100, %get3A_101] : memref<1x512x128xf32, #tpu.memory_space<vmem>>, vector<1x512x128xf32>
    %get3A_103 = vector.shape_cast %get3A_102 : vector<1x512x128xf32> to vector<512x128xf32>
    %dot_general3A_104 = arith.constant dense<0.000000e+00> : vector<512x128xf32>
    %dot_general3A_105 = tpu.matmul %get3A_103, %get3A_1, %dot_general3A_104 {dimension_numbers = #tpu.dot_dimension_numbers<[1], [0], [0], [1], [0, 0, 1, 1], [], []>, transpose_lhs_hint = false} : vector<512x128xf32>, vector<128x128xf32>, vector<512x128xf32> -> vector<512x128xf32>
    %dot_general3A_106 = arith.constant dense<0.000000e+00> : vector<1x512xf32>
    %dot_general3A_107 = tpu.matmul %get3A_98, %dot_general3A_105, %dot_general3A_106 {dimension_numbers = #tpu.dot_dimension_numbers<[1], [1], [0], [0], [0, 0, 1, 0], [], []>, transpose_lhs_hint = false} : vector<1x128xf32>, vector<512x128xf32>, vector<1x512xf32> -> vector<1x512xf32>
    %mul3A_108 = arith.constant 0.0883883461 : f32
    %mul3A_109 = vector.broadcast %mul3A_108 : f32 to vector<1x512xf32>
    %mul3A_110 = arith.mulf %dot_general3A_107, %mul3A_109 : vector<1x512xf32>
    %squeeze3A_111 = vector.shape_cast %mul3A_110 : vector<1x512xf32> to vector<512xf32>
    %swap3A_112 = arith.constant 0 : index
    %swap3A_113 = arith.constant 4 : index
    %swap3A_114 = arith.constant 0 : index
    %swap3A_115 = vector.load %arg36[%swap3A_112, %swap3A_113, %swap3A_114] : memref<1x32x512xf32, #tpu.memory_space<vmem>>, vector<1x1x512xf32>
    %swap3A_116 = vector.shape_cast %swap3A_115 : vector<1x1x512xf32> to vector<512xf32>
    %swap3A_117 = vector.shape_cast %squeeze3A_111 : vector<512xf32> to vector<1x1x512xf32>
    tpu.vector_store %arg36[%swap3A_112, %swap3A_113, %swap3A_114], %swap3A_117 {strides = array<i32>} : memref<1x32x512xf32, #tpu.memory_space<vmem>>, vector<1x1x512xf32>,
    %get3A_118 = arith.constant 0 : index
    %get3A_119 = arith.constant 0 : index
    %get3A_120 = arith.constant 0 : index
    %get3A_121 = vector.load %arg35[%get3A_118, %get3A_119, %get3A_120] : memref<1x4x128xf32, #tpu.memory_space<vmem>>, vector<1x1x128xf32>
    %get3A_122 = vector.shape_cast %get3A_121 : vector<1x1x128xf32> to vector<1x128xf32>
    %get3A_123 = arith.constant 0 : index
    %get3A_124 = arith.constant 0 : index
    %get3A_125 = arith.constant 0 : index
    %get3A_126 = vector.load %arg7[%get3A_123, %get3A_124, %get3A_125] : memref<1x512x128xf32, #tpu.memory_space<vmem>>, vector<1x512x128xf32>
    %get3A_127 = vector.shape_cast %get3A_126 : vector<1x512x128xf32> to vector<512x128xf32>
    %dot_general3A_128 = arith.constant dense<0.000000e+00> : vector<512x128xf32>
    %dot_general3A_129 = tpu.matmul %get3A_127, %get3A_1, %dot_general3A_128 {dimension_numbers = #tpu.dot_dimension_numbers<[1], [0], [0], [1], [0, 0, 1, 1], [], []>, transpose_lhs_hint = false} : vector<512x128xf32>, vector<128x128xf32>, vector<512x128xf32> -> vector<512x128xf32>
    %dot_general3A_130 = arith.constant dense<0.000000e+00> : vector<1x512xf32>
    %dot_general3A_131 = tpu.matmul %get3A_122, %dot_general3A_129, %dot_general3A_130 {dimension_numbers = #tpu.dot_dimension_numbers<[1], [1], [0], [0], [0, 0, 1, 0], [], []>, transpose_lhs_hint = false} : vector<1x128xf32>, vector<512x128xf32>, vector<1x512xf32> -> vector<1x512xf32>
    %mul3A_132 = arith.constant 0.0883883461 : f32
    %mul3A_133 = vector.broadcast %mul3A_132 : f32 to vector<1x512xf32>
    %mul3A_134 = arith.mulf %dot_general3A_131, %mul3A_133 : vector<1x512xf32>
    %squeeze3A_135 = vector.shape_cast %mul3A_134 : vector<1x512xf32> to vector<512xf32>
    %swap3A_136 = arith.constant 0 : index
    %swap3A_137 = arith.constant 5 : index
    %swap3A_138 = arith.constant 0 : index
    %swap3A_139 = vector.load %arg36[%swap3A_136, %swap3A_137, %swap3A_138] : memref<1x32x512xf32, #tpu.memory_space<vmem>>, vector<1x1x512xf32>
    %swap3A_140 = vector.shape_cast %swap3A_139 : vector<1x1x512xf32> to vector<512xf32>
    %swap3A_141 = vector.shape_cast %squeeze3A_135 : vector<512xf32> to vector<1x1x512xf32>
    tpu.vector_store %arg36[%swap3A_136, %swap3A_137, %swap3A_138], %swap3A_141 {strides = array<i32>} : memref<1x32x512xf32, #tpu.memory_space<vmem>>, vector<1x1x512xf32>,
    %get3A_142 = arith.constant 0 : index
    %get3A_143 = arith.constant 0 : index
    %get3A_144 = arith.constant 0 : index
    %get3A_145 = vector.load %arg35[%get3A_142, %get3A_143, %get3A_144] : memref<1x4x128xf32, #tpu.memory_space<vmem>>, vector<1x1x128xf32>
    %get3A_146 = vector.shape_cast %get3A_145 : vector<1x1x128xf32> to vector<1x128xf32>
    %get3A_147 = arith.constant 0 : index
    %get3A_148 = arith.constant 0 : index
    %get3A_149 = arith.constant 0 : index
    %get3A_150 = vector.load %arg8[%get3A_147, %get3A_148, %get3A_149] : memref<1x512x128xf32, #tpu.memory_space<vmem>>, vector<1x512x128xf32>
    %get3A_151 = vector.shape_cast %get3A_150 : vector<1x512x128xf32> to vector<512x128xf32>
    %dot_general3A_152 = arith.constant dense<0.000000e+00> : vector<512x128xf32>
    %dot_general3A_153 = tpu.matmul %get3A_151, %get3A_1, %dot_general3A_152 {dimension_numbers = #tpu.dot_dimension_numbers<[1], [0], [0], [1], [0, 0, 1, 1], [], []>, transpose_lhs_hint = false} : vector<512x128xf32>, vector<128x128xf32>, vector<512x128xf32> -> vector<512x128xf32>
    %dot_general3A_154 = arith.constant dense<0.000000e+00> : vector<1x512xf32>
    %dot_general3A_155 = tpu.matmul %get3A_146, %dot_general3A_153, %dot_general3A_154 {dimension_numbers = #tpu.dot_dimension_numbers<[1], [1], [0], [0], [0, 0, 1, 0], [], []>, transpose_lhs_hint = false} : vector<1x128xf32>, vector<512x128xf32>, vector<1x512xf32> -> vector<1x512xf32>
    %mul3A_156 = arith.constant 0.0883883461 : f32
    %mul3A_157 = vector.broadcast %mul3A_156 : f32 to vector<1x512xf32>
    %mul3A_158 = arith.mulf %dot_general3A_155, %mul3A_157 : vector<1x512xf32>
    %squeeze3A_159 = vector.shape_cast %mul3A_158 : vector<1x512xf32> to vector<512xf32>
    %swap3A_160 = arith.constant 0 : index
    %swap3A_161 = arith.constant 6 : index
    %swap3A_162 = arith.constant 0 : index
    %swap3A_163 = vector.load %arg36[%swap3A_160, %swap3A_161, %swap3A_162] : memref<1x32x512xf32, #tpu.memory_space<vmem>>, vector<1x1x512xf32>
    %swap3A_164 = vector.shape_cast %swap3A_163 : vector<1x1x512xf32> to vector<512xf32>
    %swap3A_165 = vector.shape_cast %squeeze3A_159 : vector<512xf32> to vector<1x1x512xf32>
    tpu.vector_store %arg36[%swap3A_160, %swap3A_161, %swap3A_162], %swap3A_165 {strides = array<i32>} : memref<1x32x512xf32, #tpu.memory_space<vmem>>, vector<1x1x512xf32>,
    %get3A_166 = arith.constant 0 : index
    %get3A_167 = arith.constant 0 : index
    %get3A_168 = arith.constant 0 : index
    %get3A_169 = vector.load %arg35[%get3A_166, %get3A_167, %get3A_168] : memref<1x4x128xf32, #tpu.memory_space<vmem>>, vector<1x1x128xf32>
    %get3A_170 = vector.shape_cast %get3A_169 : vector<1x1x128xf32> to vector<1x128xf32>
    %get3A_171 = arith.constant 0 : index
    %get3A_172 = arith.constant 0 : index
    %get3A_173 = arith.constant 0 : index
    %get3A_174 = vector.load %arg9[%get3A_171, %get3A_172, %get3A_173] : memref<1x512x128xf32, #tpu.memory_space<vmem>>, vector<1x512x128xf32>
    %get3A_175 = vector.shape_cast %get3A_174 : vector<1x512x128xf32> to vector<512x128xf32>
    %dot_general3A_176 = arith.constant dense<0.000000e+00> : vector<512x128xf32>
    %dot_general3A_177 = tpu.matmul %get3A_175, %get3A_1, %dot_general3A_176 {dimension_numbers = #tpu.dot_dimension_numbers<[1], [0], [0], [1], [0, 0, 1, 1], [], []>, transpose_lhs_hint = false} : vector<512x128xf32>, vector<128x128xf32>, vector<512x128xf32> -> vector<512x128xf32>
    %dot_general3A_178 = arith.constant dense<0.000000e+00> : vector<1x512xf32>
    %dot_general3A_179 = tpu.matmul %get3A_170, %dot_general3A_177, %dot_general3A_178 {dimension_numbers = #tpu.dot_dimension_numbers<[1], [1], [0], [0], [0, 0, 1, 0], [], []>, transpose_lhs_hint = false} : vector<1x128xf32>, vector<512x128xf32>, vector<1x512xf32> -> vector<1x512xf32>
    %mul3A_180 = arith.constant 0.0883883461 : f32
    %mul3A_181 = vector.broadcast %mul3A_180 : f32 to vector<1x512xf32>
    %mul3A_182 = arith.mulf %dot_general3A_179, %mul3A_181 : vector<1x512xf32>
    %squeeze3A_183 = vector.shape_cast %mul3A_182 : vector<1x512xf32> to vector<512xf32>
    %swap3A_184 = arith.constant 0 : index
    %swap3A_185 = arith.constant 7 : index
    %swap3A_186 = arith.constant 0 : index
    %swap3A_187 = vector.load %arg36[%swap3A_184, %swap3A_185, %swap3A_186] : memref<1x32x512xf32, #tpu.memory_space<vmem>>, vector<1x1x512xf32>
    %swap3A_188 = vector.shape_cast %swap3A_187 : vector<1x1x512xf32> to vector<512xf32>
    %swap3A_189 = vector.shape_cast %squeeze3A_183 : vector<512xf32> to vector<1x1x512xf32>
    tpu.vector_store %arg36[%swap3A_184, %swap3A_185, %swap3A_186], %swap3A_189 {strides = array<i32>} : memref<1x32x512xf32, #tpu.memory_space<vmem>>, vector<1x1x512xf32>,
    %get3A_190 = arith.constant 0 : index
    %get3A_191 = arith.constant 1 : index
    %get3A_192 = arith.constant 0 : index
    %get3A_193 = vector.load %arg35[%get3A_190, %get3A_191, %get3A_192] : memref<1x4x128xf32, #tpu.memory_space<vmem>>, vector<1x1x128xf32>
    %get3A_194 = vector.shape_cast %get3A_193 : vector<1x1x128xf32> to vector<1x128xf32>
    %get3A_195 = arith.constant 0 : index
    %get3A_196 = arith.constant 0 : index
    %get3A_197 = arith.constant 0 : index
    %get3A_198 = vector.load %arg10[%get3A_195, %get3A_196, %get3A_197] : memref<1x512x128xf32, #tpu.memory_space<vmem>>, vector<1x512x128xf32>
    %get3A_199 = vector.shape_cast %get3A_198 : vector<1x512x128xf32> to vector<512x128xf32>
    %dot_general3A_200 = arith.constant dense<0.000000e+00> : vector<512x128xf32>
    %dot_general3A_201 = tpu.matmul %get3A_199, %get3A_1, %dot_general3A_200 {dimension_numbers = #tpu.dot_dimension_numbers<[1], [0], [0], [1], [0, 0, 1, 1], [], []>, transpose_lhs_hint = false} : vector<512x128xf32>, vector<128x128xf32>, vector<512x128xf32> -> vector<512x128xf32>
    %dot_general3A_202 = arith.constant dense<0.000000e+00> : vector<1x512xf32>
    %dot_general3A_203 = tpu.matmul %get3A_194, %dot_general3A_201, %dot_general3A_202 {dimension_numbers = #tpu.dot_dimension_numbers<[1], [1], [0], [0], [0, 0, 1, 0], [], []>, transpose_lhs_hint = false} : vector<1x128xf32>, vector<512x128xf32>, vector<1x512xf32> -> vector<1x512xf32>
    %mul3A_204 = arith.constant 0.0883883461 : f32
    %mul3A_205 = vector.broadcast %mul3A_204 : f32 to vector<1x512xf32>
    %mul3A_206 = arith.mulf %dot_general3A_203, %mul3A_205 : vector<1x512xf32>
    %squeeze3A_207 = vector.shape_cast %mul3A_206 : vector<1x512xf32> to vector<512xf32>
    %swap3A_208 = arith.constant 0 : index
    %swap3A_209 = arith.constant 8 : index
    %swap3A_210 = arith.constant 0 : index
    %swap3A_211 = vector.load %arg36[%swap3A_208, %swap3A_209, %swap3A_210] : memref<1x32x512xf32, #tpu.memory_space<vmem>>, vector<1x1x512xf32>
    %swap3A_212 = vector.shape_cast %swap3A_211 : vector<1x1x512xf32> to vector<512xf32>
    %swap3A_213 = vector.shape_cast %squeeze3A_207 : vector<512xf32> to vector<1x1x512xf32>
    tpu.vector_store %arg36[%swap3A_208, %swap3A_209, %swap3A_210], %swap3A_213 {strides = array<i32>} : memref<1x32x512xf32, #tpu.memory_space<vmem>>, vector<1x1x512xf32>,
    %get3A_214 = arith.constant 0 : index
    %get3A_215 = arith.constant 1 : index
    %get3A_216 = arith.constant 0 : index
    %get3A_217 = vector.load %arg35[%get3A_214, %get3A_215, %get3A_216] : memref<1x4x128xf32, #tpu.memory_space<vmem>>, vector<1x1x128xf32>
    %get3A_218 = vector.shape_cast %get3A_217 : vector<1x1x128xf32> to vector<1x128xf32>
    %get3A_219 = arith.constant 0 : index
    %get3A_220 = arith.constant 0 : index
    %get3A_221 = arith.constant 0 : index
    %get3A_222 = vector.load %arg11[%get3A_219, %get3A_220, %get3A_221] : memref<1x512x128xf32, #tpu.memory_space<vmem>>, vector<1x512x128xf32>
    %get3A_223 = vector.shape_cast %get3A_222 : vector<1x512x128xf32> to vector<512x128xf32>
    %dot_general3A_224 = arith.constant dense<0.000000e+00> : vector<512x128xf32>
    %dot_general3A_225 = tpu.matmul %get3A_223, %get3A_1, %dot_general3A_224 {dimension_numbers = #tpu.dot_dimension_numbers<[1], [0], [0], [1], [0, 0, 1, 1], [], []>, transpose_lhs_hint = false} : vector<512x128xf32>, vector<128x128xf32>, vector<512x128xf32> -> vector<512x128xf32>
    %dot_general3A_226 = arith.constant dense<0.000000e+00> : vector<1x512xf32>
    %dot_general3A_227 = tpu.matmul %get3A_218, %dot_general3A_225, %dot_general3A_226 {dimension_numbers = #tpu.dot_dimension_numbers<[1], [1], [0], [0], [0, 0, 1, 0], [], []>, transpose_lhs_hint = false} : vector<1x128xf32>, vector<512x128xf32>, vector<1x512xf32> -> vector<1x512xf32>
    %mul3A_228 = arith.constant 0.0883883461 : f32
    %mul3A_229 = vector.broadcast %mul3A_228 : f32 to vector<1x512xf32>
    %mul3A_230 = arith.mulf %dot_general3A_227, %mul3A_229 : vector<1x512xf32>
    %squeeze3A_231 = vector.shape_cast %mul3A_230 : vector<1x512xf32> to vector<512xf32>
    %swap3A_232 = arith.constant 0 : index
    %swap3A_233 = arith.constant 9 : index
    %swap3A_234 = arith.constant 0 : index
    %swap3A_235 = vector.load %arg36[%swap3A_232, %swap3A_233, %swap3A_234] : memref<1x32x512xf32, #tpu.memory_space<vmem>>, vector<1x1x512xf32>
    %swap3A_236 = vector.shape_cast %swap3A_235 : vector<1x1x512xf32> to vector<512xf32>
    %swap3A_237 = vector.shape_cast %squeeze3A_231 : vector<512xf32> to vector<1x1x512xf32>
    tpu.vector_store %arg36[%swap3A_232, %swap3A_233, %swap3A_234], %swap3A_237 {strides = array<i32>} : memref<1x32x512xf32, #tpu.memory_space<vmem>>, vector<1x1x512xf32>,
    %get3A_238 = arith.constant 0 : index
    %get3A_239 = arith.constant 1 : index
    %get3A_240 = arith.constant 0 : index
    %get3A_241 = vector.load %arg35[%get3A_238, %get3A_239, %get3A_240] : memref<1x4x128xf32, #tpu.memory_space<vmem>>, vector<1x1x128xf32>
    %get3A_242 = vector.shape_cast %get3A_241 : vector<1x1x128xf32> to vector<1x128xf32>
    %get3A_243 = arith.constant 0 : index
    %get3A_244 = arith.constant 0 : index
    %get3A_245 = arith.constant 0 : index
    %get3A_246 = vector.load %arg12[%get3A_243, %get3A_244, %get3A_245] : memref<1x512x128xf32, #tpu.memory_space<vmem>>, vector<1x512x128xf32>
    %get3A_247 = vector.shape_cast %get3A_246 : vector<1x512x128xf32> to vector<512x128xf32>
    %dot_general3A_248 = arith.constant dense<0.000000e+00> : vector<512x128xf32>
    %dot_general3A_249 = tpu.matmul %get3A_247, %get3A_1, %dot_general3A_248 {dimension_numbers = #tpu.dot_dimension_numbers<[1], [0], [0], [1], [0, 0, 1, 1], [], []>, transpose_lhs_hint = false} : vector<512x128xf32>, vector<128x128xf32>, vector<512x128xf32> -> vector<512x128xf32>
    %dot_general3A_250 = arith.constant dense<0.000000e+00> : vector<1x512xf32>
    %dot_general3A_251 = tpu.matmul %get3A_242, %dot_general3A_249, %dot_general3A_250 {dimension_numbers = #tpu.dot_dimension_numbers<[1], [1], [0], [0], [0, 0, 1, 0], [], []>, transpose_lhs_hint = false} : vector<1x128xf32>, vector<512x128xf32>, vector<1x512xf32> -> vector<1x512xf32>
    %mul3A_252 = arith.constant 0.0883883461 : f32
    %mul3A_253 = vector.broadcast %mul3A_252 : f32 to vector<1x512xf32>
    %mul3A_254 = arith.mulf %dot_general3A_251, %mul3A_253 : vector<1x512xf32>
    %squeeze3A_255 = vector.shape_cast %mul3A_254 : vector<1x512xf32> to vector<512xf32>
    %swap3A_256 = arith.constant 0 : index
    %swap3A_257 = arith.constant 10 : index
    %swap3A_258 = arith.constant 0 : index
    %swap3A_259 = vector.load %arg36[%swap3A_256, %swap3A_257, %swap3A_258] : memref<1x32x512xf32, #tpu.memory_space<vmem>>, vector<1x1x512xf32>
    %swap3A_260 = vector.shape_cast %swap3A_259 : vector<1x1x512xf32> to vector<512xf32>
    %swap3A_261 = vector.shape_cast %squeeze3A_255 : vector<512xf32> to vector<1x1x512xf32>
    tpu.vector_store %arg36[%swap3A_256, %swap3A_257, %swap3A_258], %swap3A_261 {strides = array<i32>} : memref<1x32x512xf32, #tpu.memory_space<vmem>>, vector<1x1x512xf32>,
    %get3A_262 = arith.constant 0 : index
    %get3A_263 = arith.constant 1 : index
    %get3A_264 = arith.constant 0 : index
    %get3A_265 = vector.load %arg35[%get3A_262, %get3A_263, %get3A_264] : memref<1x4x128xf32, #tpu.memory_space<vmem>>, vector<1x1x128xf32>
    %get3A_266 = vector.shape_cast %get3A_265 : vector<1x1x128xf32> to vector<1x128xf32>
    %get3A_267 = arith.constant 0 : index
    %get3A_268 = arith.constant 0 : index
    %get3A_269 = arith.constant 0 : index
    %get3A_270 = vector.load %arg13[%get3A_267, %get3A_268, %get3A_269] : memref<1x512x128xf32, #tpu.memory_space<vmem>>, vector<1x512x128xf32>
    %get3A_271 = vector.shape_cast %get3A_270 : vector<1x512x128xf32> to vector<512x128xf32>
    %dot_general3A_272 = arith.constant dense<0.000000e+00> : vector<512x128xf32>
    %dot_general3A_273 = tpu.matmul %get3A_271, %get3A_1, %dot_general3A_272 {dimension_numbers = #tpu.dot_dimension_numbers<[1], [0], [0], [1], [0, 0, 1, 1], [], []>, transpose_lhs_hint = false} : vector<512x128xf32>, vector<128x128xf32>, vector<512x128xf32> -> vector<512x128xf32>
    %dot_general3A_274 = arith.constant dense<0.000000e+00> : vector<1x512xf32>
    %dot_general3A_275 = tpu.matmul %get3A_266, %dot_general3A_273, %dot_general3A_274 {dimension_numbers = #tpu.dot_dimension_numbers<[1], [1], [0], [0], [0, 0, 1, 0], [], []>, transpose_lhs_hint = false} : vector<1x128xf32>, vector<512x128xf32>, vector<1x512xf32> -> vector<1x512xf32>
    %mul3A_276 = arith.constant 0.0883883461 : f32
    %mul3A_277 = vector.broadcast %mul3A_276 : f32 to vector<1x512xf32>
    %mul3A_278 = arith.mulf %dot_general3A_275, %mul3A_277 : vector<1x512xf32>
    %squeeze3A_279 = vector.shape_cast %mul3A_278 : vector<1x512xf32> to vector<512xf32>
    %swap3A_280 = arith.constant 0 : index
    %swap3A_281 = arith.constant 11 : index
    %swap3A_282 = arith.constant 0 : index
    %swap3A_283 = vector.load %arg36[%swap3A_280, %swap3A_281, %swap3A_282] : memref<1x32x512xf32, #tpu.memory_space<vmem>>, vector<1x1x512xf32>
    %swap3A_284 = vector.shape_cast %swap3A_283 : vector<1x1x512xf32> to vector<512xf32>
    %swap3A_285 = vector.shape_cast %squeeze3A_279 : vector<512xf32> to vector<1x1x512xf32>
    tpu.vector_store %arg36[%swap3A_280, %swap3A_281, %swap3A_282], %swap3A_285 {strides = array<i32>} : memref<1x32x512xf32, #tpu.memory_space<vmem>>, vector<1x1x512xf32>,
    %get3A_286 = arith.constant 0 : index
    %get3A_287 = arith.constant 1 : index
    %get3A_288 = arith.constant 0 : index
    %get3A_289 = vector.load %arg35[%get3A_286, %get3A_287, %get3A_288] : memref<1x4x128xf32, #tpu.memory_space<vmem>>, vector<1x1x128xf32>
    %get3A_290 = vector.shape_cast %get3A_289 : vector<1x1x128xf32> to vector<1x128xf32>
    %get3A_291 = arith.constant 0 : index
    %get3A_292 = arith.constant 0 : index
    %get3A_293 = arith.constant 0 : index
    %get3A_294 = vector.load %arg14[%get3A_291, %get3A_292, %get3A_293] : memref<1x512x128xf32, #tpu.memory_space<vmem>>, vector<1x512x128xf32>
    %get3A_295 = vector.shape_cast %get3A_294 : vector<1x512x128xf32> to vector<512x128xf32>
    %dot_general3A_296 = arith.constant dense<0.000000e+00> : vector<512x128xf32>
    %dot_general3A_297 = tpu.matmul %get3A_295, %get3A_1, %dot_general3A_296 {dimension_numbers = #tpu.dot_dimension_numbers<[1], [0], [0], [1], [0, 0, 1, 1], [], []>, transpose_lhs_hint = false} : vector<512x128xf32>, vector<128x128xf32>, vector<512x128xf32> -> vector<512x128xf32>
    %dot_general3A_298 = arith.constant dense<0.000000e+00> : vector<1x512xf32>
    %dot_general3A_299 = tpu.matmul %get3A_290, %dot_general3A_297, %dot_general3A_298 {dimension_numbers = #tpu.dot_dimension_numbers<[1], [1], [0], [0], [0, 0, 1, 0], [], []>, transpose_lhs_hint = false} : vector<1x128xf32>, vector<512x128xf32>, vector<1x512xf32> -> vector<1x512xf32>
    %mul3A_300 = arith.constant 0.0883883461 : f32
    %mul3A_301 = vector.broadcast %mul3A_300 : f32 to vector<1x512xf32>
    %mul3A_302 = arith.mulf %dot_general3A_299, %mul3A_301 : vector<1x512xf32>
    %squeeze3A_303 = vector.shape_cast %mul3A_302 : vector<1x512xf32> to vector<512xf32>
    %swap3A_304 = arith.constant 0 : index
    %swap3A_305 = arith.constant 12 : index
    %swap3A_306 = arith.constant 0 : index
    %swap3A_307 = vector.load %arg36[%swap3A_304, %swap3A_305, %swap3A_306] : memref<1x32x512xf32, #tpu.memory_space<vmem>>, vector<1x1x512xf32>
    %swap3A_308 = vector.shape_cast %swap3A_307 : vector<1x1x512xf32> to vector<512xf32>
    %swap3A_309 = vector.shape_cast %squeeze3A_303 : vector<512xf32> to vector<1x1x512xf32>
    tpu.vector_store %arg36[%swap3A_304, %swap3A_305, %swap3A_306], %swap3A_309 {strides = array<i32>} : memref<1x32x512xf32, #tpu.memory_space<vmem>>, vector<1x1x512xf32>,
    %get3A_310 = arith.constant 0 : index
    %get3A_311 = arith.constant 1 : index
    %get3A_312 = arith.constant 0 : index
    %get3A_313 = vector.load %arg35[%get3A_310, %get3A_311, %get3A_312] : memref<1x4x128xf32, #tpu.memory_space<vmem>>, vector<1x1x128xf32>
    %get3A_314 = vector.shape_cast %get3A_313 : vector<1x1x128xf32> to vector<1x128xf32>
    %get3A_315 = arith.constant 0 : index
    %get3A_316 = arith.constant 0 : index
    %get3A_317 = arith.constant 0 : index
    %get3A_318 = vector.load %arg15[%get3A_315, %get3A_316, %get3A_317] : memref<1x512x128xf32, #tpu.memory_space<vmem>>, vector<1x512x128xf32>
    %get3A_319 = vector.shape_cast %get3A_318 : vector<1x512x128xf32> to vector<512x128xf32>
    %dot_general3A_320 = arith.constant dense<0.000000e+00> : vector<512x128xf32>
    %dot_general3A_321 = tpu.matmul %get3A_319, %get3A_1, %dot_general3A_320 {dimension_numbers = #tpu.dot_dimension_numbers<[1], [0], [0], [1], [0, 0, 1, 1], [], []>, transpose_lhs_hint = false} : vector<512x128xf32>, vector<128x128xf32>, vector<512x128xf32> -> vector<512x128xf32>
    %dot_general3A_322 = arith.constant dense<0.000000e+00> : vector<1x512xf32>
    %dot_general3A_323 = tpu.matmul %get3A_314, %dot_general3A_321, %dot_general3A_322 {dimension_numbers = #tpu.dot_dimension_numbers<[1], [1], [0], [0], [0, 0, 1, 0], [], []>, transpose_lhs_hint = false} : vector<1x128xf32>, vector<512x128xf32>, vector<1x512xf32> -> vector<1x512xf32>
    %mul3A_324 = arith.constant 0.0883883461 : f32
    %mul3A_325 = vector.broadcast %mul3A_324 : f32 to vector<1x512xf32>
    %mul3A_326 = arith.mulf %dot_general3A_323, %mul3A_325 : vector<1x512xf32>
    %squeeze3A_327 = vector.shape_cast %mul3A_326 : vector<1x512xf32> to vector<512xf32>
    %swap3A_328 = arith.constant 0 : index
    %swap3A_329 = arith.constant 13 : index
    %swap3A_330 = arith.constant 0 : index
    %swap3A_331 = vector.load %arg36[%swap3A_328, %swap3A_329, %swap3A_330] : memref<1x32x512xf32, #tpu.memory_space<vmem>>, vector<1x1x512xf32>
    %swap3A_332 = vector.shape_cast %swap3A_331 : vector<1x1x512xf32> to vector<512xf32>
    %swap3A_333 = vector.shape_cast %squeeze3A_327 : vector<512xf32> to vector<1x1x512xf32>
    tpu.vector_store %arg36[%swap3A_328, %swap3A_329, %swap3A_330], %swap3A_333 {strides = array<i32>} : memref<1x32x512xf32, #tpu.memory_space<vmem>>, vector<1x1x512xf32>,
    %get3A_334 = arith.constant 0 : index
    %get3A_335 = arith.constant 1 : index
    %get3A_336 = arith.constant 0 : index
    %get3A_337 = vector.load %arg35[%get3A_334, %get3A_335, %get3A_336] : memref<1x4x128xf32, #tpu.memory_space<vmem>>, vector<1x1x128xf32>
    %get3A_338 = vector.shape_cast %get3A_337 : vector<1x1x128xf32> to vector<1x128xf32>
    %get3A_339 = arith.constant 0 : index
    %get3A_340 = arith.constant 0 : index
    %get3A_341 = arith.constant 0 : index
    %get3A_342 = vector.load %arg16[%get3A_339, %get3A_340, %get3A_341] : memref<1x512x128xf32, #tpu.memory_space<vmem>>, vector<1x512x128xf32>
    %get3A_343 = vector.shape_cast %get3A_342 : vector<1x512x128xf32> to vector<512x128xf32>
    %dot_general3A_344 = arith.constant dense<0.000000e+00> : vector<512x128xf32>
    %dot_general3A_345 = tpu.matmul %get3A_343, %get3A_1, %dot_general3A_344 {dimension_numbers = #tpu.dot_dimension_numbers<[1], [0], [0], [1], [0, 0, 1, 1], [], []>, transpose_lhs_hint = false} : vector<512x128xf32>, vector<128x128xf32>, vector<512x128xf32> -> vector<512x128xf32>
    %dot_general3A_346 = arith.constant dense<0.000000e+00> : vector<1x512xf32>
    %dot_general3A_347 = tpu.matmul %get3A_338, %dot_general3A_345, %dot_general3A_346 {dimension_numbers = #tpu.dot_dimension_numbers<[1], [1], [0], [0], [0, 0, 1, 0], [], []>, transpose_lhs_hint = false} : vector<1x128xf32>, vector<512x128xf32>, vector<1x512xf32> -> vector<1x512xf32>
    %mul3A_348 = arith.constant 0.0883883461 : f32
    %mul3A_349 = vector.broadcast %mul3A_348 : f32 to vector<1x512xf32>
    %mul3A_350 = arith.mulf %dot_general3A_347, %mul3A_349 : vector<1x512xf32>
    %squeeze3A_351 = vector.shape_cast %mul3A_350 : vector<1x512xf32> to vector<512xf32>
    %swap3A_352 = arith.constant 0 : index
    %swap3A_353 = arith.constant 14 : index
    %swap3A_354 = arith.constant 0 : index
    %swap3A_355 = vector.load %arg36[%swap3A_352, %swap3A_353, %swap3A_354] : memref<1x32x512xf32, #tpu.memory_space<vmem>>, vector<1x1x512xf32>
    %swap3A_356 = vector.shape_cast %swap3A_355 : vector<1x1x512xf32> to vector<512xf32>
    %swap3A_357 = vector.shape_cast %squeeze3A_351 : vector<512xf32> to vector<1x1x512xf32>
    tpu.vector_store %arg36[%swap3A_352, %swap3A_353, %swap3A_354], %swap3A_357 {strides = array<i32>} : memref<1x32x512xf32, #tpu.memory_space<vmem>>, vector<1x1x512xf32>,
    %get3A_358 = arith.constant 0 : index
    %get3A_359 = arith.constant 1 : index
    %get3A_360 = arith.constant 0 : index
    %get3A_361 = vector.load %arg35[%get3A_358, %get3A_359, %get3A_360] : memref<1x4x128xf32, #tpu.memory_space<vmem>>, vector<1x1x128xf32>
    %get3A_362 = vector.shape_cast %get3A_361 : vector<1x1x128xf32> to vector<1x128xf32>
    %get3A_363 = arith.constant 0 : index
    %get3A_364 = arith.constant 0 : index
    %get3A_365 = arith.constant 0 : index
    %get3A_366 = vector.load %arg17[%get3A_363, %get3A_364, %get3A_365] : memref<1x512x128xf32, #tpu.memory_space<vmem>>, vector<1x512x128xf32>
    %get3A_367 = vector.shape_cast %get3A_366 : vector<1x512x128xf32> to vector<512x128xf32>
    %dot_general3A_368 = arith.constant dense<0.000000e+00> : vector<512x128xf32>
    %dot_general3A_369 = tpu.matmul %get3A_367, %get3A_1, %dot_general3A_368 {dimension_numbers = #tpu.dot_dimension_numbers<[1], [0], [0], [1], [0, 0, 1, 1], [], []>, transpose_lhs_hint = false} : vector<512x128xf32>, vector<128x128xf32>, vector<512x128xf32> -> vector<512x128xf32>
    %dot_general3A_370 = arith.constant dense<0.000000e+00> : vector<1x512xf32>
    %dot_general3A_371 = tpu.matmul %get3A_362, %dot_general3A_369, %dot_general3A_370 {dimension_numbers = #tpu.dot_dimension_numbers<[1], [1], [0], [0], [0, 0, 1, 0], [], []>, transpose_lhs_hint = false} : vector<1x128xf32>, vector<512x128xf32>, vector<1x512xf32> -> vector<1x512xf32>
    %mul3A_372 = arith.constant 0.0883883461 : f32
    %mul3A_373 = vector.broadcast %mul3A_372 : f32 to vector<1x512xf32>
    %mul3A_374 = arith.mulf %dot_general3A_371, %mul3A_373 : vector<1x512xf32>
    %squeeze3A_375 = vector.shape_cast %mul3A_374 : vector<1x512xf32> to vector<512xf32>
    %swap3A_376 = arith.constant 0 : index
    %swap3A_377 = arith.constant 15 : index
    %swap3A_378 = arith.constant 0 : index
    %swap3A_379 = vector.load %arg36[%swap3A_376, %swap3A_377, %swap3A_378] : memref<1x32x512xf32, #tpu.memory_space<vmem>>, vector<1x1x512xf32>
    %swap3A_380 = vector.shape_cast %swap3A_379 : vector<1x1x512xf32> to vector<512xf32>
    %swap3A_381 = vector.shape_cast %squeeze3A_375 : vector<512xf32> to vector<1x1x512xf32>
    tpu.vector_store %arg36[%swap3A_376, %swap3A_377, %swap3A_378], %swap3A_381 {strides = array<i32>} : memref<1x32x512xf32, #tpu.memory_space<vmem>>, vector<1x1x512xf32>,
    %get3A_382 = arith.constant 0 : index
    %get3A_383 = arith.constant 2 : index
    %get3A_384 = arith.constant 0 : index
    %get3A_385 = vector.load %arg35[%get3A_382, %get3A_383, %get3A_384] : memref<1x4x128xf32, #tpu.memory_space<vmem>>, vector<1x1x128xf32>
    %get3A_386 = vector.shape_cast %get3A_385 : vector<1x1x128xf32> to vector<1x128xf32>
    %get3A_387 = arith.constant 0 : index
    %get3A_388 = arith.constant 0 : index
    %get3A_389 = arith.constant 0 : index
    %get3A_390 = vector.load %arg18[%get3A_387, %get3A_388, %get3A_389] : memref<1x512x128xf32, #tpu.memory_space<vmem>>, vector<1x512x128xf32>
    %get3A_391 = vector.shape_cast %get3A_390 : vector<1x512x128xf32> to vector<512x128xf32>
    %dot_general3A_392 = arith.constant dense<0.000000e+00> : vector<512x128xf32>
    %dot_general3A_393 = tpu.matmul %get3A_391, %get3A_1, %dot_general3A_392 {dimension_numbers = #tpu.dot_dimension_numbers<[1], [0], [0], [1], [0, 0, 1, 1], [], []>, transpose_lhs_hint = false} : vector<512x128xf32>, vector<128x128xf32>, vector<512x128xf32> -> vector<512x128xf32>
    %dot_general3A_394 = arith.constant dense<0.000000e+00> : vector<1x512xf32>
    %dot_general3A_395 = tpu.matmul %get3A_386, %dot_general3A_393, %dot_general3A_394 {dimension_numbers = #tpu.dot_dimension_numbers<[1], [1], [0], [0], [0, 0, 1, 0], [], []>, transpose_lhs_hint = false} : vector<1x128xf32>, vector<512x128xf32>, vector<1x512xf32> -> vector<1x512xf32>
    %mul3A_396 = arith.constant 0.0883883461 : f32
    %mul3A_397 = vector.broadcast %mul3A_396 : f32 to vector<1x512xf32>
    %mul3A_398 = arith.mulf %dot_general3A_395, %mul3A_397 : vector<1x512xf32>
    %squeeze3A_399 = vector.shape_cast %mul3A_398 : vector<1x512xf32> to vector<512xf32>
    %swap3A_400 = arith.constant 0 : index
    %swap3A_401 = arith.constant 16 : index
    %swap3A_402 = arith.constant 0 : index
    %swap3A_403 = vector.load %arg36[%swap3A_400, %swap3A_401, %swap3A_402] : memref<1x32x512xf32, #tpu.memory_space<vmem>>, vector<1x1x512xf32>
    %swap3A_404 = vector.shape_cast %swap3A_403 : vector<1x1x512xf32> to vector<512xf32>
    %swap3A_405 = vector.shape_cast %squeeze3A_399 : vector<512xf32> to vector<1x1x512xf32>
    tpu.vector_store %arg36[%swap3A_400, %swap3A_401, %swap3A_402], %swap3A_405 {strides = array<i32>} : memref<1x32x512xf32, #tpu.memory_space<vmem>>, vector<1x1x512xf32>,
    %get3A_406 = arith.constant 0 : index
    %get3A_407 = arith.constant 2 : index
    %get3A_408 = arith.constant 0 : index
    %get3A_409 = vector.load %arg35[%get3A_406, %get3A_407, %get3A_408] : memref<1x4x128xf32, #tpu.memory_space<vmem>>, vector<1x1x128xf32>
    %get3A_410 = vector.shape_cast %get3A_409 : vector<1x1x128xf32> to vector<1x128xf32>
    %get3A_411 = arith.constant 0 : index
    %get3A_412 = arith.constant 0 : index
    %get3A_413 = arith.constant 0 : index
    %get3A_414 = vector.load %arg19[%get3A_411, %get3A_412, %get3A_413] : memref<1x512x128xf32, #tpu.memory_space<vmem>>, vector<1x512x128xf32>
    %get3A_415 = vector.shape_cast %get3A_414 : vector<1x512x128xf32> to vector<512x128xf32>
    %dot_general3A_416 = arith.constant dense<0.000000e+00> : vector<512x128xf32>
    %dot_general3A_417 = tpu.matmul %get3A_415, %get3A_1, %dot_general3A_416 {dimension_numbers = #tpu.dot_dimension_numbers<[1], [0], [0], [1], [0, 0, 1, 1], [], []>, transpose_lhs_hint = false} : vector<512x128xf32>, vector<128x128xf32>, vector<512x128xf32> -> vector<512x128xf32>
    %dot_general3A_418 = arith.constant dense<0.000000e+00> : vector<1x512xf32>
    %dot_general3A_419 = tpu.matmul %get3A_410, %dot_general3A_417, %dot_general3A_418 {dimension_numbers = #tpu.dot_dimension_numbers<[1], [1], [0], [0], [0, 0, 1, 0], [], []>, transpose_lhs_hint = false} : vector<1x128xf32>, vector<512x128xf32>, vector<1x512xf32> -> vector<1x512xf32>
    %mul3A_420 = arith.constant 0.0883883461 : f32
    %mul3A_421 = vector.broadcast %mul3A_420 : f32 to vector<1x512xf32>
    %mul3A_422 = arith.mulf %dot_general3A_419, %mul3A_421 : vector<1x512xf32>
    %squeeze3A_423 = vector.shape_cast %mul3A_422 : vector<1x512xf32> to vector<512xf32>
    %swap3A_424 = arith.constant 0 : index
    %swap3A_425 = arith.constant 17 : index
    %swap3A_426 = arith.constant 0 : index
    %swap3A_427 = vector.load %arg36[%swap3A_424, %swap3A_425, %swap3A_426] : memref<1x32x512xf32, #tpu.memory_space<vmem>>, vector<1x1x512xf32>
    %swap3A_428 = vector.shape_cast %swap3A_427 : vector<1x1x512xf32> to vector<512xf32>
    %swap3A_429 = vector.shape_cast %squeeze3A_423 : vector<512xf32> to vector<1x1x512xf32>
    tpu.vector_store %arg36[%swap3A_424, %swap3A_425, %swap3A_426], %swap3A_429 {strides = array<i32>} : memref<1x32x512xf32, #tpu.memory_space<vmem>>, vector<1x1x512xf32>,
    %get3A_430 = arith.constant 0 : index
    %get3A_431 = arith.constant 2 : index
    %get3A_432 = arith.constant 0 : index
    %get3A_433 = vector.load %arg35[%get3A_430, %get3A_431, %get3A_432] : memref<1x4x128xf32, #tpu.memory_space<vmem>>, vector<1x1x128xf32>
    %get3A_434 = vector.shape_cast %get3A_433 : vector<1x1x128xf32> to vector<1x128xf32>
    %get3A_435 = arith.constant 0 : index
    %get3A_436 = arith.constant 0 : index
    %get3A_437 = arith.constant 0 : index
    %get3A_438 = vector.load %arg20[%get3A_435, %get3A_436, %get3A_437] : memref<1x512x128xf32, #tpu.memory_space<vmem>>, vector<1x512x128xf32>
    %get3A_439 = vector.shape_cast %get3A_438 : vector<1x512x128xf32> to vector<512x128xf32>
    %dot_general3A_440 = arith.constant dense<0.000000e+00> : vector<512x128xf32>
    %dot_general3A_441 = tpu.matmul %get3A_439, %get3A_1, %dot_general3A_440 {dimension_numbers = #tpu.dot_dimension_numbers<[1], [0], [0], [1], [0, 0, 1, 1], [], []>, transpose_lhs_hint = false} : vector<512x128xf32>, vector<128x128xf32>, vector<512x128xf32> -> vector<512x128xf32>
    %dot_general3A_442 = arith.constant dense<0.000000e+00> : vector<1x512xf32>
    %dot_general3A_443 = tpu.matmul %get3A_434, %dot_general3A_441, %dot_general3A_442 {dimension_numbers = #tpu.dot_dimension_numbers<[1], [1], [0], [0], [0, 0, 1, 0], [], []>, transpose_lhs_hint = false} : vector<1x128xf32>, vector<512x128xf32>, vector<1x512xf32> -> vector<1x512xf32>
    %mul3A_444 = arith.constant 0.0883883461 : f32
    %mul3A_445 = vector.broadcast %mul3A_444 : f32 to vector<1x512xf32>
    %mul3A_446 = arith.mulf %dot_general3A_443, %mul3A_445 : vector<1x512xf32>
    %squeeze3A_447 = vector.shape_cast %mul3A_446 : vector<1x512xf32> to vector<512xf32>
    %swap3A_448 = arith.constant 0 : index
    %swap3A_449 = arith.constant 18 : index
    %swap3A_450 = arith.constant 0 : index
    %swap3A_451 = vector.load %arg36[%swap3A_448, %swap3A_449, %swap3A_450] : memref<1x32x512xf32, #tpu.memory_space<vmem>>, vector<1x1x512xf32>
    %swap3A_452 = vector.shape_cast %swap3A_451 : vector<1x1x512xf32> to vector<512xf32>
    %swap3A_453 = vector.shape_cast %squeeze3A_447 : vector<512xf32> to vector<1x1x512xf32>
    tpu.vector_store %arg36[%swap3A_448, %swap3A_449, %swap3A_450], %swap3A_453 {strides = array<i32>} : memref<1x32x512xf32, #tpu.memory_space<vmem>>, vector<1x1x512xf32>,
    %get3A_454 = arith.constant 0 : index
    %get3A_455 = arith.constant 2 : index
    %get3A_456 = arith.constant 0 : index
    %get3A_457 = vector.load %arg35[%get3A_454, %get3A_455, %get3A_456] : memref<1x4x128xf32, #tpu.memory_space<vmem>>, vector<1x1x128xf32>
    %get3A_458 = vector.shape_cast %get3A_457 : vector<1x1x128xf32> to vector<1x128xf32>
    %get3A_459 = arith.constant 0 : index
    %get3A_460 = arith.constant 0 : index
    %get3A_461 = arith.constant 0 : index
    %get3A_462 = vector.load %arg21[%get3A_459, %get3A_460, %get3A_461] : memref<1x512x128xf32, #tpu.memory_space<vmem>>, vector<1x512x128xf32>
    %get3A_463 = vector.shape_cast %get3A_462 : vector<1x512x128xf32> to vector<512x128xf32>
    %dot_general3A_464 = arith.constant dense<0.000000e+00> : vector<512x128xf32>
    %dot_general3A_465 = tpu.matmul %get3A_463, %get3A_1, %dot_general3A_464 {dimension_numbers = #tpu.dot_dimension_numbers<[1], [0], [0], [1], [0, 0, 1, 1], [], []>, transpose_lhs_hint = false} : vector<512x128xf32>, vector<128x128xf32>, vector<512x128xf32> -> vector<512x128xf32>
    %dot_general3A_466 = arith.constant dense<0.000000e+00> : vector<1x512xf32>
    %dot_general3A_467 = tpu.matmul %get3A_458, %dot_general3A_465, %dot_general3A_466 {dimension_numbers = #tpu.dot_dimension_numbers<[1], [1], [0], [0], [0, 0, 1, 0], [], []>, transpose_lhs_hint = false} : vector<1x128xf32>, vector<512x128xf32>, vector<1x512xf32> -> vector<1x512xf32>
    %mul3A_468 = arith.constant 0.0883883461 : f32
    %mul3A_469 = vector.broadcast %mul3A_468 : f32 to vector<1x512xf32>
    %mul3A_470 = arith.mulf %dot_general3A_467, %mul3A_469 : vector<1x512xf32>
    %squeeze3A_471 = vector.shape_cast %mul3A_470 : vector<1x512xf32> to vector<512xf32>
    %swap3A_472 = arith.constant 0 : index
    %swap3A_473 = arith.constant 19 : index
    %swap3A_474 = arith.constant 0 : index
    %swap3A_475 = vector.load %arg36[%swap3A_472, %swap3A_473, %swap3A_474] : memref<1x32x512xf32, #tpu.memory_space<vmem>>, vector<1x1x512xf32>
    %swap3A_476 = vector.shape_cast %swap3A_475 : vector<1x1x512xf32> to vector<512xf32>
    %swap3A_477 = vector.shape_cast %squeeze3A_471 : vector<512xf32> to vector<1x1x512xf32>
    tpu.vector_store %arg36[%swap3A_472, %swap3A_473, %swap3A_474], %swap3A_477 {strides = array<i32>} : memref<1x32x512xf32, #tpu.memory_space<vmem>>, vector<1x1x512xf32>,
    %get3A_478 = arith.constant 0 : index
    %get3A_479 = arith.constant 2 : index
    %get3A_480 = arith.constant 0 : index
    %get3A_481 = vector.load %arg35[%get3A_478, %get3A_479, %get3A_480] : memref<1x4x128xf32, #tpu.memory_space<vmem>>, vector<1x1x128xf32>
    %get3A_482 = vector.shape_cast %get3A_481 : vector<1x1x128xf32> to vector<1x128xf32>
    %get3A_483 = arith.constant 0 : index
    %get3A_484 = arith.constant 0 : index
    %get3A_485 = arith.constant 0 : index
    %get3A_486 = vector.load %arg22[%get3A_483, %get3A_484, %get3A_485] : memref<1x512x128xf32, #tpu.memory_space<vmem>>, vector<1x512x128xf32>
    %get3A_487 = vector.shape_cast %get3A_486 : vector<1x512x128xf32> to vector<512x128xf32>
    %dot_general3A_488 = arith.constant dense<0.000000e+00> : vector<512x128xf32>
    %dot_general3A_489 = tpu.matmul %get3A_487, %get3A_1, %dot_general3A_488 {dimension_numbers = #tpu.dot_dimension_numbers<[1], [0], [0], [1], [0, 0, 1, 1], [], []>, transpose_lhs_hint = false} : vector<512x128xf32>, vector<128x128xf32>, vector<512x128xf32> -> vector<512x128xf32>
    %dot_general3A_490 = arith.constant dense<0.000000e+00> : vector<1x512xf32>
    %dot_general3A_491 = tpu.matmul %get3A_482, %dot_general3A_489, %dot_general3A_490 {dimension_numbers = #tpu.dot_dimension_numbers<[1], [1], [0], [0], [0, 0, 1, 0], [], []>, transpose_lhs_hint = false} : vector<1x128xf32>, vector<512x128xf32>, vector<1x512xf32> -> vector<1x512xf32>
    %mul3A_492 = arith.constant 0.0883883461 : f32
    %mul3A_493 = vector.broadcast %mul3A_492 : f32 to vector<1x512xf32>
    %mul3A_494 = arith.mulf %dot_general3A_491, %mul3A_493 : vector<1x512xf32>
    %squeeze3A_495 = vector.shape_cast %mul3A_494 : vector<1x512xf32> to vector<512xf32>
    %swap3A_496 = arith.constant 0 : index
    %swap3A_497 = arith.constant 20 : index
    %swap3A_498 = arith.constant 0 : index
    %swap3A_499 = vector.load %arg36[%swap3A_496, %swap3A_497, %swap3A_498] : memref<1x32x512xf32, #tpu.memory_space<vmem>>, vector<1x1x512xf32>
    %swap3A_500 = vector.shape_cast %swap3A_499 : vector<1x1x512xf32> to vector<512xf32>
    %swap3A_501 = vector.shape_cast %squeeze3A_495 : vector<512xf32> to vector<1x1x512xf32>
    tpu.vector_store %arg36[%swap3A_496, %swap3A_497, %swap3A_498], %swap3A_501 {strides = array<i32>} : memref<1x32x512xf32, #tpu.memory_space<vmem>>, vector<1x1x512xf32>,
    %get3A_502 = arith.constant 0 : index
    %get3A_503 = arith.constant 2 : index
    %get3A_504 = arith.constant 0 : index
    %get3A_505 = vector.load %arg35[%get3A_502, %get3A_503, %get3A_504] : memref<1x4x128xf32, #tpu.memory_space<vmem>>, vector<1x1x128xf32>
    %get3A_506 = vector.shape_cast %get3A_505 : vector<1x1x128xf32> to vector<1x128xf32>
    %get3A_507 = arith.constant 0 : index
    %get3A_508 = arith.constant 0 : index
    %get3A_509 = arith.constant 0 : index
    %get3A_510 = vector.load %arg23[%get3A_507, %get3A_508, %get3A_509] : memref<1x512x128xf32, #tpu.memory_space<vmem>>, vector<1x512x128xf32>
    %get3A_511 = vector.shape_cast %get3A_510 : vector<1x512x128xf32> to vector<512x128xf32>
    %dot_general3A_512 = arith.constant dense<0.000000e+00> : vector<512x128xf32>
    %dot_general3A_513 = tpu.matmul %get3A_511, %get3A_1, %dot_general3A_512 {dimension_numbers = #tpu.dot_dimension_numbers<[1], [0], [0], [1], [0, 0, 1, 1], [], []>, transpose_lhs_hint = false} : vector<512x128xf32>, vector<128x128xf32>, vector<512x128xf32> -> vector<512x128xf32>
    %dot_general3A_514 = arith.constant dense<0.000000e+00> : vector<1x512xf32>
    %dot_general3A_515 = tpu.matmul %get3A_506, %dot_general3A_513, %dot_general3A_514 {dimension_numbers = #tpu.dot_dimension_numbers<[1], [1], [0], [0], [0, 0, 1, 0], [], []>, transpose_lhs_hint = false} : vector<1x128xf32>, vector<512x128xf32>, vector<1x512xf32> -> vector<1x512xf32>
    %mul3A_516 = arith.constant 0.0883883461 : f32
    %mul3A_517 = vector.broadcast %mul3A_516 : f32 to vector<1x512xf32>
    %mul3A_518 = arith.mulf %dot_general3A_515, %mul3A_517 : vector<1x512xf32>
    %squeeze3A_519 = vector.shape_cast %mul3A_518 : vector<1x512xf32> to vector<512xf32>
    %swap3A_520 = arith.constant 0 : index
    %swap3A_521 = arith.constant 21 : index
    %swap3A_522 = arith.constant 0 : index
    %swap3A_523 = vector.load %arg36[%swap3A_520, %swap3A_521, %swap3A_522] : memref<1x32x512xf32, #tpu.memory_space<vmem>>, vector<1x1x512xf32>
    %swap3A_524 = vector.shape_cast %swap3A_523 : vector<1x1x512xf32> to vector<512xf32>
    %swap3A_525 = vector.shape_cast %squeeze3A_519 : vector<512xf32> to vector<1x1x512xf32>
    tpu.vector_store %arg36[%swap3A_520, %swap3A_521, %swap3A_522], %swap3A_525 {strides = array<i32>} : memref<1x32x512xf32, #tpu.memory_space<vmem>>, vector<1x1x512xf32>,
    %get3A_526 = arith.constant 0 : index
    %get3A_527 = arith.constant 2 : index
    %get3A_528 = arith.constant 0 : index
    %get3A_529 = vector.load %arg35[%get3A_526, %get3A_527, %get3A_528] : memref<1x4x128xf32, #tpu.memory_space<vmem>>, vector<1x1x128xf32>
    %get3A_530 = vector.shape_cast %get3A_529 : vector<1x1x128xf32> to vector<1x128xf32>
    %get3A_531 = arith.constant 0 : index
    %get3A_532 = arith.constant 0 : index
    %get3A_533 = arith.constant 0 : index
    %get3A_534 = vector.load %arg24[%get3A_531, %get3A_532, %get3A_533] : memref<1x512x128xf32, #tpu.memory_space<vmem>>, vector<1x512x128xf32>
    %get3A_535 = vector.shape_cast %get3A_534 : vector<1x512x128xf32> to vector<512x128xf32>
    %dot_general3A_536 = arith.constant dense<0.000000e+00> : vector<512x128xf32>
    %dot_general3A_537 = tpu.matmul %get3A_535, %get3A_1, %dot_general3A_536 {dimension_numbers = #tpu.dot_dimension_numbers<[1], [0], [0], [1], [0, 0, 1, 1], [], []>, transpose_lhs_hint = false} : vector<512x128xf32>, vector<128x128xf32>, vector<512x128xf32> -> vector<512x128xf32>
    %dot_general3A_538 = arith.constant dense<0.000000e+00> : vector<1x512xf32>
    %dot_general3A_539 = tpu.matmul %get3A_530, %dot_general3A_537, %dot_general3A_538 {dimension_numbers = #tpu.dot_dimension_numbers<[1], [1], [0], [0], [0, 0, 1, 0], [], []>, transpose_lhs_hint = false} : vector<1x128xf32>, vector<512x128xf32>, vector<1x512xf32> -> vector<1x512xf32>
    %mul3A_540 = arith.constant 0.0883883461 : f32
    %mul3A_541 = vector.broadcast %mul3A_540 : f32 to vector<1x512xf32>
    %mul3A_542 = arith.mulf %dot_general3A_539, %mul3A_541 : vector<1x512xf32>
    %squeeze3A_543 = vector.shape_cast %mul3A_542 : vector<1x512xf32> to vector<512xf32>
    %swap3A_544 = arith.constant 0 : index
    %swap3A_545 = arith.constant 22 : index
    %swap3A_546 = arith.constant 0 : index
    %swap3A_547 = vector.load %arg36[%swap3A_544, %swap3A_545, %swap3A_546] : memref<1x32x512xf32, #tpu.memory_space<vmem>>, vector<1x1x512xf32>
    %swap3A_548 = vector.shape_cast %swap3A_547 : vector<1x1x512xf32> to vector<512xf32>
    %swap3A_549 = vector.shape_cast %squeeze3A_543 : vector<512xf32> to vector<1x1x512xf32>
    tpu.vector_store %arg36[%swap3A_544, %swap3A_545, %swap3A_546], %swap3A_549 {strides = array<i32>} : memref<1x32x512xf32, #tpu.memory_space<vmem>>, vector<1x1x512xf32>,
    %get3A_550 = arith.constant 0 : index
    %get3A_551 = arith.constant 2 : index
    %get3A_552 = arith.constant 0 : index
    %get3A_553 = vector.load %arg35[%get3A_550, %get3A_551, %get3A_552] : memref<1x4x128xf32, #tpu.memory_space<vmem>>, vector<1x1x128xf32>
    %get3A_554 = vector.shape_cast %get3A_553 : vector<1x1x128xf32> to vector<1x128xf32>
    %get3A_555 = arith.constant 0 : index
    %get3A_556 = arith.constant 0 : index
    %get3A_557 = arith.constant 0 : index
    %get3A_558 = vector.load %arg25[%get3A_555, %get3A_556, %get3A_557] : memref<1x512x128xf32, #tpu.memory_space<vmem>>, vector<1x512x128xf32>
    %get3A_559 = vector.shape_cast %get3A_558 : vector<1x512x128xf32> to vector<512x128xf32>
    %dot_general3A_560 = arith.constant dense<0.000000e+00> : vector<512x128xf32>
    %dot_general3A_561 = tpu.matmul %get3A_559, %get3A_1, %dot_general3A_560 {dimension_numbers = #tpu.dot_dimension_numbers<[1], [0], [0], [1], [0, 0, 1, 1], [], []>, transpose_lhs_hint = false} : vector<512x128xf32>, vector<128x128xf32>, vector<512x128xf32> -> vector<512x128xf32>
    %dot_general3A_562 = arith.constant dense<0.000000e+00> : vector<1x512xf32>
    %dot_general3A_563 = tpu.matmul %get3A_554, %dot_general3A_561, %dot_general3A_562 {dimension_numbers = #tpu.dot_dimension_numbers<[1], [1], [0], [0], [0, 0, 1, 0], [], []>, transpose_lhs_hint = false} : vector<1x128xf32>, vector<512x128xf32>, vector<1x512xf32> -> vector<1x512xf32>
    %mul3A_564 = arith.constant 0.0883883461 : f32
    %mul3A_565 = vector.broadcast %mul3A_564 : f32 to vector<1x512xf32>
    %mul3A_566 = arith.mulf %dot_general3A_563, %mul3A_565 : vector<1x512xf32>
    %squeeze3A_567 = vector.shape_cast %mul3A_566 : vector<1x512xf32> to vector<512xf32>
    %swap3A_568 = arith.constant 0 : index
    %swap3A_569 = arith.constant 23 : index
    %swap3A_570 = arith.constant 0 : index
    %swap3A_571 = vector.load %arg36[%swap3A_568, %swap3A_569, %swap3A_570] : memref<1x32x512xf32, #tpu.memory_space<vmem>>, vector<1x1x512xf32>
    %swap3A_572 = vector.shape_cast %swap3A_571 : vector<1x1x512xf32> to vector<512xf32>
    %swap3A_573 = vector.shape_cast %squeeze3A_567 : vector<512xf32> to vector<1x1x512xf32>
    tpu.vector_store %arg36[%swap3A_568, %swap3A_569, %swap3A_570], %swap3A_573 {strides = array<i32>} : memref<1x32x512xf32, #tpu.memory_space<vmem>>, vector<1x1x512xf32>,
    %get3A_574 = arith.constant 0 : index
    %get3A_575 = arith.constant 3 : index
    %get3A_576 = arith.constant 0 : index
    %get3A_577 = vector.load %arg35[%get3A_574, %get3A_575, %get3A_576] : memref<1x4x128xf32, #tpu.memory_space<vmem>>, vector<1x1x128xf32>
    %get3A_578 = vector.shape_cast %get3A_577 : vector<1x1x128xf32> to vector<1x128xf32>
    %get3A_579 = arith.constant 0 : index
    %get3A_580 = arith.constant 0 : index
    %get3A_581 = arith.constant 0 : index
    %get3A_582 = vector.load %arg26[%get3A_579, %get3A_580, %get3A_581] : memref<1x512x128xf32, #tpu.memory_space<vmem>>, vector<1x512x128xf32>
    %get3A_583 = vector.shape_cast %get3A_582 : vector<1x512x128xf32> to vector<512x128xf32>
    %dot_general3A_584 = arith.constant dense<0.000000e+00> : vector<512x128xf32>
    %dot_general3A_585 = tpu.matmul %get3A_583, %get3A_1, %dot_general3A_584 {dimension_numbers = #tpu.dot_dimension_numbers<[1], [0], [0], [1], [0, 0, 1, 1], [], []>, transpose_lhs_hint = false} : vector<512x128xf32>, vector<128x128xf32>, vector<512x128xf32> -> vector<512x128xf32>
    %dot_general3A_586 = arith.constant dense<0.000000e+00> : vector<1x512xf32>
    %dot_general3A_587 = tpu.matmul %get3A_578, %dot_general3A_585, %dot_general3A_586 {dimension_numbers = #tpu.dot_dimension_numbers<[1], [1], [0], [0], [0, 0, 1, 0], [], []>, transpose_lhs_hint = false} : vector<1x128xf32>, vector<512x128xf32>, vector<1x512xf32> -> vector<1x512xf32>
    %mul3A_588 = arith.constant 0.0883883461 : f32
    %mul3A_589 = vector.broadcast %mul3A_588 : f32 to vector<1x512xf32>
    %mul3A_590 = arith.mulf %dot_general3A_587, %mul3A_589 : vector<1x512xf32>
    %squeeze3A_591 = vector.shape_cast %mul3A_590 : vector<1x512xf32> to vector<512xf32>
    %swap3A_592 = arith.constant 0 : index
    %swap3A_593 = arith.constant 24 : index
    %swap3A_594 = arith.constant 0 : index
    %swap3A_595 = vector.load %arg36[%swap3A_592, %swap3A_593, %swap3A_594] : memref<1x32x512xf32, #tpu.memory_space<vmem>>, vector<1x1x512xf32>
    %swap3A_596 = vector.shape_cast %swap3A_595 : vector<1x1x512xf32> to vector<512xf32>
    %swap3A_597 = vector.shape_cast %squeeze3A_591 : vector<512xf32> to vector<1x1x512xf32>
    tpu.vector_store %arg36[%swap3A_592, %swap3A_593, %swap3A_594], %swap3A_597 {strides = array<i32>} : memref<1x32x512xf32, #tpu.memory_space<vmem>>, vector<1x1x512xf32>,
    %get3A_598 = arith.constant 0 : index
    %get3A_599 = arith.constant 3 : index
    %get3A_600 = arith.constant 0 : index
    %get3A_601 = vector.load %arg35[%get3A_598, %get3A_599, %get3A_600] : memref<1x4x128xf32, #tpu.memory_space<vmem>>, vector<1x1x128xf32>
    %get3A_602 = vector.shape_cast %get3A_601 : vector<1x1x128xf32> to vector<1x128xf32>
    %get3A_603 = arith.constant 0 : index
    %get3A_604 = arith.constant 0 : index
    %get3A_605 = arith.constant 0 : index
    %get3A_606 = vector.load %arg27[%get3A_603, %get3A_604, %get3A_605] : memref<1x512x128xf32, #tpu.memory_space<vmem>>, vector<1x512x128xf32>
    %get3A_607 = vector.shape_cast %get3A_606 : vector<1x512x128xf32> to vector<512x128xf32>
    %dot_general3A_608 = arith.constant dense<0.000000e+00> : vector<512x128xf32>
    %dot_general3A_609 = tpu.matmul %get3A_607, %get3A_1, %dot_general3A_608 {dimension_numbers = #tpu.dot_dimension_numbers<[1], [0], [0], [1], [0, 0, 1, 1], [], []>, transpose_lhs_hint = false} : vector<512x128xf32>, vector<128x128xf32>, vector<512x128xf32> -> vector<512x128xf32>
    %dot_general3A_610 = arith.constant dense<0.000000e+00> : vector<1x512xf32>
    %dot_general3A_611 = tpu.matmul %get3A_602, %dot_general3A_609, %dot_general3A_610 {dimension_numbers = #tpu.dot_dimension_numbers<[1], [1], [0], [0], [0, 0, 1, 0], [], []>, transpose_lhs_hint = false} : vector<1x128xf32>, vector<512x128xf32>, vector<1x512xf32> -> vector<1x512xf32>
    %mul3A_612 = arith.constant 0.0883883461 : f32
    %mul3A_613 = vector.broadcast %mul3A_612 : f32 to vector<1x512xf32>
    %mul3A_614 = arith.mulf %dot_general3A_611, %mul3A_613 : vector<1x512xf32>
    %squeeze3A_615 = vector.shape_cast %mul3A_614 : vector<1x512xf32> to vector<512xf32>
    %swap3A_616 = arith.constant 0 : index
    %swap3A_617 = arith.constant 25 : index
    %swap3A_618 = arith.constant 0 : index
    %swap3A_619 = vector.load %arg36[%swap3A_616, %swap3A_617, %swap3A_618] : memref<1x32x512xf32, #tpu.memory_space<vmem>>, vector<1x1x512xf32>
    %swap3A_620 = vector.shape_cast %swap3A_619 : vector<1x1x512xf32> to vector<512xf32>
    %swap3A_621 = vector.shape_cast %squeeze3A_615 : vector<512xf32> to vector<1x1x512xf32>
    tpu.vector_store %arg36[%swap3A_616, %swap3A_617, %swap3A_618], %swap3A_621 {strides = array<i32>} : memref<1x32x512xf32, #tpu.memory_space<vmem>>, vector<1x1x512xf32>,
    %get3A_622 = arith.constant 0 : index
    %get3A_623 = arith.constant 3 : index
    %get3A_624 = arith.constant 0 : index
    %get3A_625 = vector.load %arg35[%get3A_622, %get3A_623, %get3A_624] : memref<1x4x128xf32, #tpu.memory_space<vmem>>, vector<1x1x128xf32>
    %get3A_626 = vector.shape_cast %get3A_625 : vector<1x1x128xf32> to vector<1x128xf32>
    %get3A_627 = arith.constant 0 : index
    %get3A_628 = arith.constant 0 : index
    %get3A_629 = arith.constant 0 : index
    %get3A_630 = vector.load %arg28[%get3A_627, %get3A_628, %get3A_629] : memref<1x512x128xf32, #tpu.memory_space<vmem>>, vector<1x512x128xf32>
    %get3A_631 = vector.shape_cast %get3A_630 : vector<1x512x128xf32> to vector<512x128xf32>
    %dot_general3A_632 = arith.constant dense<0.000000e+00> : vector<512x128xf32>
    %dot_general3A_633 = tpu.matmul %get3A_631, %get3A_1, %dot_general3A_632 {dimension_numbers = #tpu.dot_dimension_numbers<[1], [0], [0], [1], [0, 0, 1, 1], [], []>, transpose_lhs_hint = false} : vector<512x128xf32>, vector<128x128xf32>, vector<512x128xf32> -> vector<512x128xf32>
    %dot_general3A_634 = arith.constant dense<0.000000e+00> : vector<1x512xf32>
    %dot_general3A_635 = tpu.matmul %get3A_626, %dot_general3A_633, %dot_general3A_634 {dimension_numbers = #tpu.dot_dimension_numbers<[1], [1], [0], [0], [0, 0, 1, 0], [], []>, transpose_lhs_hint = false} : vector<1x128xf32>, vector<512x128xf32>, vector<1x512xf32> -> vector<1x512xf32>
    %mul3A_636 = arith.constant 0.0883883461 : f32
    %mul3A_637 = vector.broadcast %mul3A_636 : f32 to vector<1x512xf32>
    %mul3A_638 = arith.mulf %dot_general3A_635, %mul3A_637 : vector<1x512xf32>
    %squeeze3A_639 = vector.shape_cast %mul3A_638 : vector<1x512xf32> to vector<512xf32>
    %swap3A_640 = arith.constant 0 : index
    %swap3A_641 = arith.constant 26 : index
    %swap3A_642 = arith.constant 0 : index
    %swap3A_643 = vector.load %arg36[%swap3A_640, %swap3A_641, %swap3A_642] : memref<1x32x512xf32, #tpu.memory_space<vmem>>, vector<1x1x512xf32>
    %swap3A_644 = vector.shape_cast %swap3A_643 : vector<1x1x512xf32> to vector<512xf32>
    %swap3A_645 = vector.shape_cast %squeeze3A_639 : vector<512xf32> to vector<1x1x512xf32>
    tpu.vector_store %arg36[%swap3A_640, %swap3A_641, %swap3A_642], %swap3A_645 {strides = array<i32>} : memref<1x32x512xf32, #tpu.memory_space<vmem>>, vector<1x1x512xf32>,
    %get3A_646 = arith.constant 0 : index
    %get3A_647 = arith.constant 3 : index
    %get3A_648 = arith.constant 0 : index
    %get3A_649 = vector.load %arg35[%get3A_646, %get3A_647, %get3A_648] : memref<1x4x128xf32, #tpu.memory_space<vmem>>, vector<1x1x128xf32>
    %get3A_650 = vector.shape_cast %get3A_649 : vector<1x1x128xf32> to vector<1x128xf32>
    %get3A_651 = arith.constant 0 : index
    %get3A_652 = arith.constant 0 : index
    %get3A_653 = arith.constant 0 : index
    %get3A_654 = vector.load %arg29[%get3A_651, %get3A_652, %get3A_653] : memref<1x512x128xf32, #tpu.memory_space<vmem>>, vector<1x512x128xf32>
    %get3A_655 = vector.shape_cast %get3A_654 : vector<1x512x128xf32> to vector<512x128xf32>
    %dot_general3A_656 = arith.constant dense<0.000000e+00> : vector<512x128xf32>
    %dot_general3A_657 = tpu.matmul %get3A_655, %get3A_1, %dot_general3A_656 {dimension_numbers = #tpu.dot_dimension_numbers<[1], [0], [0], [1], [0, 0, 1, 1], [], []>, transpose_lhs_hint = false} : vector<512x128xf32>, vector<128x128xf32>, vector<512x128xf32> -> vector<512x128xf32>
    %dot_general3A_658 = arith.constant dense<0.000000e+00> : vector<1x512xf32>
    %dot_general3A_659 = tpu.matmul %get3A_650, %dot_general3A_657, %dot_general3A_658 {dimension_numbers = #tpu.dot_dimension_numbers<[1], [1], [0], [0], [0, 0, 1, 0], [], []>, transpose_lhs_hint = false} : vector<1x128xf32>, vector<512x128xf32>, vector<1x512xf32> -> vector<1x512xf32>
    %mul3A_660 = arith.constant 0.0883883461 : f32
    %mul3A_661 = vector.broadcast %mul3A_660 : f32 to vector<1x512xf32>
    %mul3A_662 = arith.mulf %dot_general3A_659, %mul3A_661 : vector<1x512xf32>
    %squeeze3A_663 = vector.shape_cast %mul3A_662 : vector<1x512xf32> to vector<512xf32>
    %swap3A_664 = arith.constant 0 : index
    %swap3A_665 = arith.constant 27 : index
    %swap3A_666 = arith.constant 0 : index
    %swap3A_667 = vector.load %arg36[%swap3A_664, %swap3A_665, %swap3A_666] : memref<1x32x512xf32, #tpu.memory_space<vmem>>, vector<1x1x512xf32>
    %swap3A_668 = vector.shape_cast %swap3A_667 : vector<1x1x512xf32> to vector<512xf32>
    %swap3A_669 = vector.shape_cast %squeeze3A_663 : vector<512xf32> to vector<1x1x512xf32>
    tpu.vector_store %arg36[%swap3A_664, %swap3A_665, %swap3A_666], %swap3A_669 {strides = array<i32>} : memref<1x32x512xf32, #tpu.memory_space<vmem>>, vector<1x1x512xf32>,
    %get3A_670 = arith.constant 0 : index
    %get3A_671 = arith.constant 3 : index
    %get3A_672 = arith.constant 0 : index
    %get3A_673 = vector.load %arg35[%get3A_670, %get3A_671, %get3A_672] : memref<1x4x128xf32, #tpu.memory_space<vmem>>, vector<1x1x128xf32>
    %get3A_674 = vector.shape_cast %get3A_673 : vector<1x1x128xf32> to vector<1x128xf32>
    %get3A_675 = arith.constant 0 : index
    %get3A_676 = arith.constant 0 : index
    %get3A_677 = arith.constant 0 : index
    %get3A_678 = vector.load %arg30[%get3A_675, %get3A_676, %get3A_677] : memref<1x512x128xf32, #tpu.memory_space<vmem>>, vector<1x512x128xf32>
    %get3A_679 = vector.shape_cast %get3A_678 : vector<1x512x128xf32> to vector<512x128xf32>
    %dot_general3A_680 = arith.constant dense<0.000000e+00> : vector<512x128xf32>
    %dot_general3A_681 = tpu.matmul %get3A_679, %get3A_1, %dot_general3A_680 {dimension_numbers = #tpu.dot_dimension_numbers<[1], [0], [0], [1], [0, 0, 1, 1], [], []>, transpose_lhs_hint = false} : vector<512x128xf32>, vector<128x128xf32>, vector<512x128xf32> -> vector<512x128xf32>
    %dot_general3A_682 = arith.constant dense<0.000000e+00> : vector<1x512xf32>
    %dot_general3A_683 = tpu.matmul %get3A_674, %dot_general3A_681, %dot_general3A_682 {dimension_numbers = #tpu.dot_dimension_numbers<[1], [1], [0], [0], [0, 0, 1, 0], [], []>, transpose_lhs_hint = false} : vector<1x128xf32>, vector<512x128xf32>, vector<1x512xf32> -> vector<1x512xf32>
    %mul3A_684 = arith.constant 0.0883883461 : f32
    %mul3A_685 = vector.broadcast %mul3A_684 : f32 to vector<1x512xf32>
    %mul3A_686 = arith.mulf %dot_general3A_683, %mul3A_685 : vector<1x512xf32>
    %squeeze3A_687 = vector.shape_cast %mul3A_686 : vector<1x512xf32> to vector<512xf32>
    %swap3A_688 = arith.constant 0 : index
    %swap3A_689 = arith.constant 28 : index
    %swap3A_690 = arith.constant 0 : index
    %swap3A_691 = vector.load %arg36[%swap3A_688, %swap3A_689, %swap3A_690] : memref<1x32x512xf32, #tpu.memory_space<vmem>>, vector<1x1x512xf32>
    %swap3A_692 = vector.shape_cast %swap3A_691 : vector<1x1x512xf32> to vector<512xf32>
    %swap3A_693 = vector.shape_cast %squeeze3A_687 : vector<512xf32> to vector<1x1x512xf32>
    tpu.vector_store %arg36[%swap3A_688, %swap3A_689, %swap3A_690], %swap3A_693 {strides = array<i32>} : memref<1x32x512xf32, #tpu.memory_space<vmem>>, vector<1x1x512xf32>,
    %get3A_694 = arith.constant 0 : index
    %get3A_695 = arith.constant 3 : index
    %get3A_696 = arith.constant 0 : index
    %get3A_697 = vector.load %arg35[%get3A_694, %get3A_695, %get3A_696] : memref<1x4x128xf32, #tpu.memory_space<vmem>>, vector<1x1x128xf32>
    %get3A_698 = vector.shape_cast %get3A_697 : vector<1x1x128xf32> to vector<1x128xf32>
    %get3A_699 = arith.constant 0 : index
    %get3A_700 = arith.constant 0 : index
    %get3A_701 = arith.constant 0 : index
    %get3A_702 = vector.load %arg31[%get3A_699, %get3A_700, %get3A_701] : memref<1x512x128xf32, #tpu.memory_space<vmem>>, vector<1x512x128xf32>
    %get3A_703 = vector.shape_cast %get3A_702 : vector<1x512x128xf32> to vector<512x128xf32>
    %dot_general3A_704 = arith.constant dense<0.000000e+00> : vector<512x128xf32>
    %dot_general3A_705 = tpu.matmul %get3A_703, %get3A_1, %dot_general3A_704 {dimension_numbers = #tpu.dot_dimension_numbers<[1], [0], [0], [1], [0, 0, 1, 1], [], []>, transpose_lhs_hint = false} : vector<512x128xf32>, vector<128x128xf32>, vector<512x128xf32> -> vector<512x128xf32>
    %dot_general3A_706 = arith.constant dense<0.000000e+00> : vector<1x512xf32>
    %dot_general3A_707 = tpu.matmul %get3A_698, %dot_general3A_705, %dot_general3A_706 {dimension_numbers = #tpu.dot_dimension_numbers<[1], [1], [0], [0], [0, 0, 1, 0], [], []>, transpose_lhs_hint = false} : vector<1x128xf32>, vector<512x128xf32>, vector<1x512xf32> -> vector<1x512xf32>
    %mul3A_708 = arith.constant 0.0883883461 : f32
    %mul3A_709 = vector.broadcast %mul3A_708 : f32 to vector<1x512xf32>
    %mul3A_710 = arith.mulf %dot_general3A_707, %mul3A_709 : vector<1x512xf32>
    %squeeze3A_711 = vector.shape_cast %mul3A_710 : vector<1x512xf32> to vector<512xf32>
    %swap3A_712 = arith.constant 0 : index
    %swap3A_713 = arith.constant 29 : index
    %swap3A_714 = arith.constant 0 : index
    %swap3A_715 = vector.load %arg36[%swap3A_712, %swap3A_713, %swap3A_714] : memref<1x32x512xf32, #tpu.memory_space<vmem>>, vector<1x1x512xf32>
    %swap3A_716 = vector.shape_cast %swap3A_715 : vector<1x1x512xf32> to vector<512xf32>
    %swap3A_717 = vector.shape_cast %squeeze3A_711 : vector<512xf32> to vector<1x1x512xf32>
    tpu.vector_store %arg36[%swap3A_712, %swap3A_713, %swap3A_714], %swap3A_717 {strides = array<i32>} : memref<1x32x512xf32, #tpu.memory_space<vmem>>, vector<1x1x512xf32>,
    %get3A_718 = arith.constant 0 : index
    %get3A_719 = arith.constant 3 : index
    %get3A_720 = arith.constant 0 : index
    %get3A_721 = vector.load %arg35[%get3A_718, %get3A_719, %get3A_720] : memref<1x4x128xf32, #tpu.memory_space<vmem>>, vector<1x1x128xf32>
    %get3A_722 = vector.shape_cast %get3A_721 : vector<1x1x128xf32> to vector<1x128xf32>
    %get3A_723 = arith.constant 0 : index
    %get3A_724 = arith.constant 0 : index
    %get3A_725 = arith.constant 0 : index
    %get3A_726 = vector.load %arg32[%get3A_723, %get3A_724, %get3A_725] : memref<1x512x128xf32, #tpu.memory_space<vmem>>, vector<1x512x128xf32>
    %get3A_727 = vector.shape_cast %get3A_726 : vector<1x512x128xf32> to vector<512x128xf32>
    %dot_general3A_728 = arith.constant dense<0.000000e+00> : vector<512x128xf32>
    %dot_general3A_729 = tpu.matmul %get3A_727, %get3A_1, %dot_general3A_728 {dimension_numbers = #tpu.dot_dimension_numbers<[1], [0], [0], [1], [0, 0, 1, 1], [], []>, transpose_lhs_hint = false} : vector<512x128xf32>, vector<128x128xf32>, vector<512x128xf32> -> vector<512x128xf32>
    %dot_general3A_730 = arith.constant dense<0.000000e+00> : vector<1x512xf32>
    %dot_general3A_731 = tpu.matmul %get3A_722, %dot_general3A_729, %dot_general3A_730 {dimension_numbers = #tpu.dot_dimension_numbers<[1], [1], [0], [0], [0, 0, 1, 0], [], []>, transpose_lhs_hint = false} : vector<1x128xf32>, vector<512x128xf32>, vector<1x512xf32> -> vector<1x512xf32>
    %mul3A_732 = arith.constant 0.0883883461 : f32
    %mul3A_733 = vector.broadcast %mul3A_732 : f32 to vector<1x512xf32>
    %mul3A_734 = arith.mulf %dot_general3A_731, %mul3A_733 : vector<1x512xf32>
    %squeeze3A_735 = vector.shape_cast %mul3A_734 : vector<1x512xf32> to vector<512xf32>
    %swap3A_736 = arith.constant 0 : index
    %swap3A_737 = arith.constant 30 : index
    %swap3A_738 = arith.constant 0 : index
    %swap3A_739 = vector.load %arg36[%swap3A_736, %swap3A_737, %swap3A_738] : memref<1x32x512xf32, #tpu.memory_space<vmem>>, vector<1x1x512xf32>
    %swap3A_740 = vector.shape_cast %swap3A_739 : vector<1x1x512xf32> to vector<512xf32>
    %swap3A_741 = vector.shape_cast %squeeze3A_735 : vector<512xf32> to vector<1x1x512xf32>
    tpu.vector_store %arg36[%swap3A_736, %swap3A_737, %swap3A_738], %swap3A_741 {strides = array<i32>} : memref<1x32x512xf32, #tpu.memory_space<vmem>>, vector<1x1x512xf32>,
    %get3A_742 = arith.constant 0 : index
    %get3A_743 = arith.constant 3 : index
    %get3A_744 = arith.constant 0 : index
    %get3A_745 = vector.load %arg35[%get3A_742, %get3A_743, %get3A_744] : memref<1x4x128xf32, #tpu.memory_space<vmem>>, vector<1x1x128xf32>
    %get3A_746 = vector.shape_cast %get3A_745 : vector<1x1x128xf32> to vector<1x128xf32>
    %get3A_747 = arith.constant 0 : index
    %get3A_748 = arith.constant 0 : index
    %get3A_749 = arith.constant 0 : index
    %get3A_750 = vector.load %arg33[%get3A_747, %get3A_748, %get3A_749] : memref<1x512x128xf32, #tpu.memory_space<vmem>>, vector<1x512x128xf32>
    %get3A_751 = vector.shape_cast %get3A_750 : vector<1x512x128xf32> to vector<512x128xf32>
    %dot_general3A_752 = arith.constant dense<0.000000e+00> : vector<512x128xf32>
    %dot_general3A_753 = tpu.matmul %get3A_751, %get3A_1, %dot_general3A_752 {dimension_numbers = #tpu.dot_dimension_numbers<[1], [0], [0], [1], [0, 0, 1, 1], [], []>, transpose_lhs_hint = false} : vector<512x128xf32>, vector<128x128xf32>, vector<512x128xf32> -> vector<512x128xf32>
    %dot_general3A_754 = arith.constant dense<0.000000e+00> : vector<1x512xf32>
    %dot_general3A_755 = tpu.matmul %get3A_746, %dot_general3A_753, %dot_general3A_754 {dimension_numbers = #tpu.dot_dimension_numbers<[1], [1], [0], [0], [0, 0, 1, 0], [], []>, transpose_lhs_hint = false} : vector<1x128xf32>, vector<512x128xf32>, vector<1x512xf32> -> vector<1x512xf32>
    %mul3A_756 = arith.constant 0.0883883461 : f32
    %mul3A_757 = vector.broadcast %mul3A_756 : f32 to vector<1x512xf32>
    %mul3A_758 = arith.mulf %dot_general3A_755, %mul3A_757 : vector<1x512xf32>
    %squeeze3A_759 = vector.shape_cast %mul3A_758 : vector<1x512xf32> to vector<512xf32>
    %swap3A_760 = arith.constant 0 : index
    %swap3A_761 = arith.constant 31 : index
    %swap3A_762 = arith.constant 0 : index
    %swap3A_763 = vector.load %arg36[%swap3A_760, %swap3A_761, %swap3A_762] : memref<1x32x512xf32, #tpu.memory_space<vmem>>, vector<1x1x512xf32>
    %swap3A_764 = vector.shape_cast %swap3A_763 : vector<1x1x512xf32> to vector<512xf32>
    %swap3A_765 = vector.shape_cast %squeeze3A_759 : vector<512xf32> to vector<1x1x512xf32>
    tpu.vector_store %arg36[%swap3A_760, %swap3A_761, %swap3A_762], %swap3A_765 {strides = array<i32>} : memref<1x32x512xf32, #tpu.memory_space<vmem>>, vector<1x1x512xf32>,
    return
  }
  func.func @transform_0(%arg0: i32, %arg1: memref<256xi32, #tpu.memory_space<smem>>) -> (i32, i32, i32) {
    %mul3A = arith.constant 32 : i32
    %mul3A_0 = arith.muli %arg0, %mul3A : i32
    %add3A = arith.constant 0 : i32
    %add3A_1 = arith.addi %mul3A_0, %add3A : i32
    %get3A = arith.index_cast %add3A_1 : i32 to index
    %get3A_2 = memref.load %arg1[%get3A] : memref<256xi32, #tpu.memory_space<smem>>
    %c0_i32 = arith.constant 0 : i32
    %c0_i32_3 = arith.constant 0 : i32
    %c0_i32_4 = arith.constant 0 : i32
    return %get3A_2, %c0_i32, %c0_i32_3 : i32, i32, i32
  }
  func.func @transform_1(%arg0: i32, %arg1: memref<256xi32, #tpu.memory_space<smem>>) -> (i32, i32, i32) {
    %mul3A = arith.constant 32 : i32
    %mul3A_0 = arith.muli %arg0, %mul3A : i32
    %add3A = arith.constant 1 : i32
    %add3A_1 = arith.addi %mul3A_0, %add3A : i32
    %get3A = arith.index_cast %add3A_1 : i32 to index
    %get3A_2 = memref.load %arg1[%get3A] : memref<256xi32, #tpu.memory_space<smem>>
    %c0_i32 = arith.constant 0 : i32
    %c0_i32_3 = arith.constant 0 : i32
    %c0_i32_4 = arith.constant 0 : i32
    return %get3A_2, %c0_i32, %c0_i32_3 : i32, i32, i32
  }
  func.func @transform_2(%arg0: i32, %arg1: memref<256xi32, #tpu.memory_space<smem>>) -> (i32, i32, i32) {
    %mul3A = arith.constant 32 : i32
    %mul3A_0 = arith.muli %arg0, %mul3A : i32
    %add3A = arith.constant 2 : i32
    %add3A_1 = arith.addi %mul3A_0, %add3A : i32
    %get3A = arith.index_cast %add3A_1 : i32 to index
    %get3A_2 = memref.load %arg1[%get3A] : memref<256xi32, #tpu.memory_space<smem>>
    %c0_i32 = arith.constant 0 : i32
    %c0_i32_3 = arith.constant 0 : i32
    %c0_i32_4 = arith.constant 0 : i32
    return %get3A_2, %c0_i32, %c0_i32_3 : i32, i32, i32
  }
  func.func @transform_3(%arg0: i32, %arg1: memref<256xi32, #tpu.memory_space<smem>>) -> (i32, i32, i32) {
    %mul3A = arith.constant 32 : i32
    %mul3A_0 = arith.muli %arg0, %mul3A : i32
    %add3A = arith.constant 3 : i32
    %add3A_1 = arith.addi %mul3A_0, %add3A : i32
    %get3A = arith.index_cast %add3A_1 : i32 to index
    %get3A_2 = memref.load %arg1[%get3A] : memref<256xi32, #tpu.memory_space<smem>>
    %c0_i32 = arith.constant 0 : i32
    %c0_i32_3 = arith.constant 0 : i32
    %c0_i32_4 = arith.constant 0 : i32
    return %get3A_2, %c0_i32, %c0_i32_3 : i32, i32, i32
  }
  func.func @transform_4(%arg0: i32, %arg1: memref<256xi32, #tpu.memory_space<smem>>) -> (i32, i32, i32) {
    %mul3A = arith.constant 32 : i32
    %mul3A_0 = arith.muli %arg0, %mul3A : i32
    %add3A = arith.constant 4 : i32
    %add3A_1 = arith.addi %mul3A_0, %add3A : i32
    %get3A = arith.index_cast %add3A_1 : i32 to index
    %get3A_2 = memref.load %arg1[%get3A] : memref<256xi32, #tpu.memory_space<smem>>
    %c0_i32 = arith.constant 0 : i32
    %c0_i32_3 = arith.constant 0 : i32
    %c0_i32_4 = arith.constant 0 : i32
    return %get3A_2, %c0_i32, %c0_i32_3 : i32, i32, i32
  }
  func.func @transform_5(%arg0: i32, %arg1: memref<256xi32, #tpu.memory_space<smem>>) -> (i32, i32, i32) {
    %mul3A = arith.constant 32 : i32
    %mul3A_0 = arith.muli %arg0, %mul3A : i32
    %add3A = arith.constant 5 : i32
    %add3A_1 = arith.addi %mul3A_0, %add3A : i32
    %get3A = arith.index_cast %add3A_1 : i32 to index
    %get3A_2 = memref.load %arg1[%get3A] : memref<256xi32, #tpu.memory_space<smem>>
    %c0_i32 = arith.constant 0 : i32
    %c0_i32_3 = arith.constant 0 : i32
    %c0_i32_4 = arith.constant 0 : i32
    return %get3A_2, %c0_i32, %c0_i32_3 : i32, i32, i32
  }
  func.func @transform_6(%arg0: i32, %arg1: memref<256xi32, #tpu.memory_space<smem>>) -> (i32, i32, i32) {
    %mul3A = arith.constant 32 : i32
    %mul3A_0 = arith.muli %arg0, %mul3A : i32
    %add3A = arith.constant 6 : i32
    %add3A_1 = arith.addi %mul3A_0, %add3A : i32
    %get3A = arith.index_cast %add3A_1 : i32 to index
    %get3A_2 = memref.load %arg1[%get3A] : memref<256xi32, #tpu.memory_space<smem>>
    %c0_i32 = arith.constant 0 : i32
    %c0_i32_3 = arith.constant 0 : i32
    %c0_i32_4 = arith.constant 0 : i32
    return %get3A_2, %c0_i32, %c0_i32_3 : i32, i32, i32
  }
  func.func @transform_7(%arg0: i32, %arg1: memref<256xi32, #tpu.memory_space<smem>>) -> (i32, i32, i32) {
    %mul3A = arith.constant 32 : i32
    %mul3A_0 = arith.muli %arg0, %mul3A : i32
    %add3A = arith.constant 7 : i32
    %add3A_1 = arith.addi %mul3A_0, %add3A : i32
    %get3A = arith.index_cast %add3A_1 : i32 to index
    %get3A_2 = memref.load %arg1[%get3A] : memref<256xi32, #tpu.memory_space<smem>>
    %c0_i32 = arith.constant 0 : i32
    %c0_i32_3 = arith.constant 0 : i32
    %c0_i32_4 = arith.constant 0 : i32
    return %get3A_2, %c0_i32, %c0_i32_3 : i32, i32, i32
  }
  func.func @transform_8(%arg0: i32, %arg1: memref<256xi32, #tpu.memory_space<smem>>) -> (i32, i32, i32) {
    %mul3A = arith.constant 32 : i32
    %mul3A_0 = arith.muli %arg0, %mul3A : i32
    %add3A = arith.constant 8 : i32
    %add3A_1 = arith.addi %mul3A_0, %add3A : i32
    %get3A = arith.index_cast %add3A_1 : i32 to index
    %get3A_2 = memref.load %arg1[%get3A] : memref<256xi32, #tpu.memory_space<smem>>
    %c0_i32 = arith.constant 0 : i32
    %c0_i32_3 = arith.constant 0 : i32
    %c0_i32_4 = arith.constant 0 : i32
    return %get3A_2, %c0_i32, %c0_i32_3 : i32, i32, i32
  }
  func.func @transform_9(%arg0: i32, %arg1: memref<256xi32, #tpu.memory_space<smem>>) -> (i32, i32, i32) {
    %mul3A = arith.constant 32 : i32
    %mul3A_0 = arith.muli %arg0, %mul3A : i32
    %add3A = arith.constant 9 : i32
    %add3A_1 = arith.addi %mul3A_0, %add3A : i32
    %get3A = arith.index_cast %add3A_1 : i32 to index
    %get3A_2 = memref.load %arg1[%get3A] : memref<256xi32, #tpu.memory_space<smem>>
    %c0_i32 = arith.constant 0 : i32
    %c0_i32_3 = arith.constant 0 : i32
    %c0_i32_4 = arith.constant 0 : i32
    return %get3A_2, %c0_i32, %c0_i32_3 : i32, i32, i32
  }
  func.func @transform_10(%arg0: i32, %arg1: memref<256xi32, #tpu.memory_space<smem>>) -> (i32, i32, i32) {
    %mul3A = arith.constant 32 : i32
    %mul3A_0 = arith.muli %arg0, %mul3A : i32
    %add3A = arith.constant 10 : i32
    %add3A_1 = arith.addi %mul3A_0, %add3A : i32
    %get3A = arith.index_cast %add3A_1 : i32 to index
    %get3A_2 = memref.load %arg1[%get3A] : memref<256xi32, #tpu.memory_space<smem>>
    %c0_i32 = arith.constant 0 : i32
    %c0_i32_3 = arith.constant 0 : i32
    %c0_i32_4 = arith.constant 0 : i32
    return %get3A_2, %c0_i32, %c0_i32_3 : i32, i32, i32
  }
  func.func @transform_11(%arg0: i32, %arg1: memref<256xi32, #tpu.memory_space<smem>>) -> (i32, i32, i32) {
    %mul3A = arith.constant 32 : i32
    %mul3A_0 = arith.muli %arg0, %mul3A : i32
    %add3A = arith.constant 11 : i32
    %add3A_1 = arith.addi %mul3A_0, %add3A : i32
    %get3A = arith.index_cast %add3A_1 : i32 to index
    %get3A_2 = memref.load %arg1[%get3A] : memref<256xi32, #tpu.memory_space<smem>>
    %c0_i32 = arith.constant 0 : i32
    %c0_i32_3 = arith.constant 0 : i32
    %c0_i32_4 = arith.constant 0 : i32
    return %get3A_2, %c0_i32, %c0_i32_3 : i32, i32, i32
  }
  func.func @transform_12(%arg0: i32, %arg1: memref<256xi32, #tpu.memory_space<smem>>) -> (i32, i32, i32) {
    %mul3A = arith.constant 32 : i32
    %mul3A_0 = arith.muli %arg0, %mul3A : i32
    %add3A = arith.constant 12 : i32
    %add3A_1 = arith.addi %mul3A_0, %add3A : i32
    %get3A = arith.index_cast %add3A_1 : i32 to index
    %get3A_2 = memref.load %arg1[%get3A] : memref<256xi32, #tpu.memory_space<smem>>
    %c0_i32 = arith.constant 0 : i32
    %c0_i32_3 = arith.constant 0 : i32
    %c0_i32_4 = arith.constant 0 : i32
    return %get3A_2, %c0_i32, %c0_i32_3 : i32, i32, i32
  }
  func.func @transform_13(%arg0: i32, %arg1: memref<256xi32, #tpu.memory_space<smem>>) -> (i32, i32, i32) {
    %mul3A = arith.constant 32 : i32
    %mul3A_0 = arith.muli %arg0, %mul3A : i32
    %add3A = arith.constant 13 : i32
    %add3A_1 = arith.addi %mul3A_0, %add3A : i32
    %get3A = arith.index_cast %add3A_1 : i32 to index
    %get3A_2 = memref.load %arg1[%get3A] : memref<256xi32, #tpu.memory_space<smem>>
    %c0_i32 = arith.constant 0 : i32
    %c0_i32_3 = arith.constant 0 : i32
    %c0_i32_4 = arith.constant 0 : i32
    return %get3A_2, %c0_i32, %c0_i32_3 : i32, i32, i32
  }
  func.func @transform_14(%arg0: i32, %arg1: memref<256xi32, #tpu.memory_space<smem>>) -> (i32, i32, i32) {
    %mul3A = arith.constant 32 : i32
    %mul3A_0 = arith.muli %arg0, %mul3A : i32
    %add3A = arith.constant 14 : i32
    %add3A_1 = arith.addi %mul3A_0, %add3A : i32
    %get3A = arith.index_cast %add3A_1 : i32 to index
    %get3A_2 = memref.load %arg1[%get3A] : memref<256xi32, #tpu.memory_space<smem>>
    %c0_i32 = arith.constant 0 : i32
    %c0_i32_3 = arith.constant 0 : i32
    %c0_i32_4 = arith.constant 0 : i32
    return %get3A_2, %c0_i32, %c0_i32_3 : i32, i32, i32
  }
  func.func @transform_15(%arg0: i32, %arg1: memref<256xi32, #tpu.memory_space<smem>>) -> (i32, i32, i32) {
    %mul3A = arith.constant 32 : i32
    %mul3A_0 = arith.muli %arg0, %mul3A : i32
    %add3A = arith.constant 15 : i32
    %add3A_1 = arith.addi %mul3A_0, %add3A : i32
    %get3A = arith.index_cast %add3A_1 : i32 to index
    %get3A_2 = memref.load %arg1[%get3A] : memref<256xi32, #tpu.memory_space<smem>>
    %c0_i32 = arith.constant 0 : i32
    %c0_i32_3 = arith.constant 0 : i32
    %c0_i32_4 = arith.constant 0 : i32
    return %get3A_2, %c0_i32, %c0_i32_3 : i32, i32, i32
  }
  func.func @transform_16(%arg0: i32, %arg1: memref<256xi32, #tpu.memory_space<smem>>) -> (i32, i32, i32) {
    %mul3A = arith.constant 32 : i32
    %mul3A_0 = arith.muli %arg0, %mul3A : i32
    %add3A = arith.constant 16 : i32
    %add3A_1 = arith.addi %mul3A_0, %add3A : i32
    %get3A = arith.index_cast %add3A_1 : i32 to index
    %get3A_2 = memref.load %arg1[%get3A] : memref<256xi32, #tpu.memory_space<smem>>
    %c0_i32 = arith.constant 0 : i32
    %c0_i32_3 = arith.constant 0 : i32
    %c0_i32_4 = arith.constant 0 : i32
    return %get3A_2, %c0_i32, %c0_i32_3 : i32, i32, i32
  }
  func.func @transform_17(%arg0: i32, %arg1: memref<256xi32, #tpu.memory_space<smem>>) -> (i32, i32, i32) {
    %mul3A = arith.constant 32 : i32
    %mul3A_0 = arith.muli %arg0, %mul3A : i32
    %add3A = arith.constant 17 : i32
    %add3A_1 = arith.addi %mul3A_0, %add3A : i32
    %get3A = arith.index_cast %add3A_1 : i32 to index
    %get3A_2 = memref.load %arg1[%get3A] : memref<256xi32, #tpu.memory_space<smem>>
    %c0_i32 = arith.constant 0 : i32
    %c0_i32_3 = arith.constant 0 : i32
    %c0_i32_4 = arith.constant 0 : i32
    return %get3A_2, %c0_i32, %c0_i32_3 : i32, i32, i32
  }
  func.func @transform_18(%arg0: i32, %arg1: memref<256xi32, #tpu.memory_space<smem>>) -> (i32, i32, i32) {
    %mul3A = arith.constant 32 : i32
    %mul3A_0 = arith.muli %arg0, %mul3A : i32
    %add3A = arith.constant 18 : i32
    %add3A_1 = arith.addi %mul3A_0, %add3A : i32
    %get3A = arith.index_cast %add3A_1 : i32 to index
    %get3A_2 = memref.load %arg1[%get3A] : memref<256xi32, #tpu.memory_space<smem>>
    %c0_i32 = arith.constant 0 : i32
    %c0_i32_3 = arith.constant 0 : i32
    %c0_i32_4 = arith.constant 0 : i32
    return %get3A_2, %c0_i32, %c0_i32_3 : i32, i32, i32
  }
  func.func @transform_19(%arg0: i32, %arg1: memref<256xi32, #tpu.memory_space<smem>>) -> (i32, i32, i32) {
    %mul3A = arith.constant 32 : i32
    %mul3A_0 = arith.muli %arg0, %mul3A : i32
    %add3A = arith.constant 19 : i32
    %add3A_1 = arith.addi %mul3A_0, %add3A : i32
    %get3A = arith.index_cast %add3A_1 : i32 to index
    %get3A_2 = memref.load %arg1[%get3A] : memref<256xi32, #tpu.memory_space<smem>>
    %c0_i32 = arith.constant 0 : i32
    %c0_i32_3 = arith.constant 0 : i32
    %c0_i32_4 = arith.constant 0 : i32
    return %get3A_2, %c0_i32, %c0_i32_3 : i32, i32, i32
  }
  func.func @transform_20(%arg0: i32, %arg1: memref<256xi32, #tpu.memory_space<smem>>) -> (i32, i32, i32) {
    %mul3A = arith.constant 32 : i32
    %mul3A_0 = arith.muli %arg0, %mul3A : i32
    %add3A = arith.constant 20 : i32
    %add3A_1 = arith.addi %mul3A_0, %add3A : i32
    %get3A = arith.index_cast %add3A_1 : i32 to index
    %get3A_2 = memref.load %arg1[%get3A] : memref<256xi32, #tpu.memory_space<smem>>
    %c0_i32 = arith.constant 0 : i32
    %c0_i32_3 = arith.constant 0 : i32
    %c0_i32_4 = arith.constant 0 : i32
    return %get3A_2, %c0_i32, %c0_i32_3 : i32, i32, i32
  }
  func.func @transform_21(%arg0: i32, %arg1: memref<256xi32, #tpu.memory_space<smem>>) -> (i32, i32, i32) {
    %mul3A = arith.constant 32 : i32
    %mul3A_0 = arith.muli %arg0, %mul3A : i32
    %add3A = arith.constant 21 : i32
    %add3A_1 = arith.addi %mul3A_0, %add3A : i32
    %get3A = arith.index_cast %add3A_1 : i32 to index
    %get3A_2 = memref.load %arg1[%get3A] : memref<256xi32, #tpu.memory_space<smem>>
    %c0_i32 = arith.constant 0 : i32
    %c0_i32_3 = arith.constant 0 : i32
    %c0_i32_4 = arith.constant 0 : i32
    return %get3A_2, %c0_i32, %c0_i32_3 : i32, i32, i32
  }
  func.func @transform_22(%arg0: i32, %arg1: memref<256xi32, #tpu.memory_space<smem>>) -> (i32, i32, i32) {
    %mul3A = arith.constant 32 : i32
    %mul3A_0 = arith.muli %arg0, %mul3A : i32
    %add3A = arith.constant 22 : i32
    %add3A_1 = arith.addi %mul3A_0, %add3A : i32
    %get3A = arith.index_cast %add3A_1 : i32 to index
    %get3A_2 = memref.load %arg1[%get3A] : memref<256xi32, #tpu.memory_space<smem>>
    %c0_i32 = arith.constant 0 : i32
    %c0_i32_3 = arith.constant 0 : i32
    %c0_i32_4 = arith.constant 0 : i32
    return %get3A_2, %c0_i32, %c0_i32_3 : i32, i32, i32
  }
  func.func @transform_23(%arg0: i32, %arg1: memref<256xi32, #tpu.memory_space<smem>>) -> (i32, i32, i32) {
    %mul3A = arith.constant 32 : i32
    %mul3A_0 = arith.muli %arg0, %mul3A : i32
    %add3A = arith.constant 23 : i32
    %add3A_1 = arith.addi %mul3A_0, %add3A : i32
    %get3A = arith.index_cast %add3A_1 : i32 to index
    %get3A_2 = memref.load %arg1[%get3A] : memref<256xi32, #tpu.memory_space<smem>>
    %c0_i32 = arith.constant 0 : i32
    %c0_i32_3 = arith.constant 0 : i32
    %c0_i32_4 = arith.constant 0 : i32
    return %get3A_2, %c0_i32, %c0_i32_3 : i32, i32, i32
  }
  func.func @transform_24(%arg0: i32, %arg1: memref<256xi32, #tpu.memory_space<smem>>) -> (i32, i32, i32) {
    %mul3A = arith.constant 32 : i32
    %mul3A_0 = arith.muli %arg0, %mul3A : i32
    %add3A = arith.constant 24 : i32
    %add3A_1 = arith.addi %mul3A_0, %add3A : i32
    %get3A = arith.index_cast %add3A_1 : i32 to index
    %get3A_2 = memref.load %arg1[%get3A] : memref<256xi32, #tpu.memory_space<smem>>
    %c0_i32 = arith.constant 0 : i32
    %c0_i32_3 = arith.constant 0 : i32
    %c0_i32_4 = arith.constant 0 : i32
    return %get3A_2, %c0_i32, %c0_i32_3 : i32, i32, i32
  }
  func.func @transform_25(%arg0: i32, %arg1: memref<256xi32, #tpu.memory_space<smem>>) -> (i32, i32, i32) {
    %mul3A = arith.constant 32 : i32
    %mul3A_0 = arith.muli %arg0, %mul3A : i32
    %add3A = arith.constant 25 : i32
    %add3A_1 = arith.addi %mul3A_0, %add3A : i32
    %get3A = arith.index_cast %add3A_1 : i32 to index
    %get3A_2 = memref.load %arg1[%get3A] : memref<256xi32, #tpu.memory_space<smem>>
    %c0_i32 = arith.constant 0 : i32
    %c0_i32_3 = arith.constant 0 : i32
    %c0_i32_4 = arith.constant 0 : i32
    return %get3A_2, %c0_i32, %c0_i32_3 : i32, i32, i32
  }
  func.func @transform_26(%arg0: i32, %arg1: memref<256xi32, #tpu.memory_space<smem>>) -> (i32, i32, i32) {
    %mul3A = arith.constant 32 : i32
    %mul3A_0 = arith.muli %arg0, %mul3A : i32
    %add3A = arith.constant 26 : i32
    %add3A_1 = arith.addi %mul3A_0, %add3A : i32
    %get3A = arith.index_cast %add3A_1 : i32 to index
    %get3A_2 = memref.load %arg1[%get3A] : memref<256xi32, #tpu.memory_space<smem>>
    %c0_i32 = arith.constant 0 : i32
    %c0_i32_3 = arith.constant 0 : i32
    %c0_i32_4 = arith.constant 0 : i32
    return %get3A_2, %c0_i32, %c0_i32_3 : i32, i32, i32
  }
  func.func @transform_27(%arg0: i32, %arg1: memref<256xi32, #tpu.memory_space<smem>>) -> (i32, i32, i32) {
    %mul3A = arith.constant 32 : i32
    %mul3A_0 = arith.muli %arg0, %mul3A : i32
    %add3A = arith.constant 27 : i32
    %add3A_1 = arith.addi %mul3A_0, %add3A : i32
    %get3A = arith.index_cast %add3A_1 : i32 to index
    %get3A_2 = memref.load %arg1[%get3A] : memref<256xi32, #tpu.memory_space<smem>>
    %c0_i32 = arith.constant 0 : i32
    %c0_i32_3 = arith.constant 0 : i32
    %c0_i32_4 = arith.constant 0 : i32
    return %get3A_2, %c0_i32, %c0_i32_3 : i32, i32, i32
  }
  func.func @transform_28(%arg0: i32, %arg1: memref<256xi32, #tpu.memory_space<smem>>) -> (i32, i32, i32) {
    %mul3A = arith.constant 32 : i32
    %mul3A_0 = arith.muli %arg0, %mul3A : i32
    %add3A = arith.constant 28 : i32
    %add3A_1 = arith.addi %mul3A_0, %add3A : i32
    %get3A = arith.index_cast %add3A_1 : i32 to index
    %get3A_2 = memref.load %arg1[%get3A] : memref<256xi32, #tpu.memory_space<smem>>
    %c0_i32 = arith.constant 0 : i32
    %c0_i32_3 = arith.constant 0 : i32
    %c0_i32_4 = arith.constant 0 : i32
    return %get3A_2, %c0_i32, %c0_i32_3 : i32, i32, i32
  }
  func.func @transform_29(%arg0: i32, %arg1: memref<256xi32, #tpu.memory_space<smem>>) -> (i32, i32, i32) {
    %mul3A = arith.constant 32 : i32
    %mul3A_0 = arith.muli %arg0, %mul3A : i32
    %add3A = arith.constant 29 : i32
    %add3A_1 = arith.addi %mul3A_0, %add3A : i32
    %get3A = arith.index_cast %add3A_1 : i32 to index
    %get3A_2 = memref.load %arg1[%get3A] : memref<256xi32, #tpu.memory_space<smem>>
    %c0_i32 = arith.constant 0 : i32
    %c0_i32_3 = arith.constant 0 : i32
    %c0_i32_4 = arith.constant 0 : i32
    return %get3A_2, %c0_i32, %c0_i32_3 : i32, i32, i32
  }
  func.func @transform_30(%arg0: i32, %arg1: memref<256xi32, #tpu.memory_space<smem>>) -> (i32, i32, i32) {
    %mul3A = arith.constant 32 : i32
    %mul3A_0 = arith.muli %arg0, %mul3A : i32
    %add3A = arith.constant 30 : i32
    %add3A_1 = arith.addi %mul3A_0, %add3A : i32
    %get3A = arith.index_cast %add3A_1 : i32 to index
    %get3A_2 = memref.load %arg1[%get3A] : memref<256xi32, #tpu.memory_space<smem>>
    %c0_i32 = arith.constant 0 : i32
    %c0_i32_3 = arith.constant 0 : i32
    %c0_i32_4 = arith.constant 0 : i32
    return %get3A_2, %c0_i32, %c0_i32_3 : i32, i32, i32
  }
  func.func @transform_31(%arg0: i32, %arg1: memref<256xi32, #tpu.memory_space<smem>>) -> (i32, i32, i32) {
    %mul3A = arith.constant 32 : i32
    %mul3A_0 = arith.muli %arg0, %mul3A : i32
    %add3A = arith.constant 31 : i32
    %add3A_1 = arith.addi %mul3A_0, %add3A : i32
    %get3A = arith.index_cast %add3A_1 : i32 to index
    %get3A_2 = memref.load %arg1[%get3A] : memref<256xi32, #tpu.memory_space<smem>>
    %c0_i32 = arith.constant 0 : i32
    %c0_i32_3 = arith.constant 0 : i32
    %c0_i32_4 = arith.constant 0 : i32
    return %get3A_2, %c0_i32, %c0_i32_3 : i32, i32, i32
  }
  func.func @transform_32(%arg0: i32, %arg1: memref<256xi32, #tpu.memory_space<smem>>) -> (i32, i32) {
    %c0_i32 = arith.constant 0 : i32
    %c0_i32_0 = arith.constant 0 : i32
    %c0_i32_1 = arith.constant 0 : i32
    return %c0_i32, %c0_i32_0 : i32, i32
  }
  func.func @transform_33(%arg0: i32, %arg1: memref<256xi32, #tpu.memory_space<smem>>) -> (i32, i32, i32) {
    %c0_i32 = arith.constant 0 : i32
    %c0_i32_0 = arith.constant 0 : i32
    %c0_i32_1 = arith.constant 0 : i32
    return %arg0, %c0_i32, %c0_i32_0 : i32, i32, i32
  }
  func.func @transform_34(%arg0: i32, %arg1: memref<256xi32, #tpu.memory_space<smem>>) -> (i32, i32, i32) {
    %c0_i32 = arith.constant 0 : i32
    %c0_i32_0 = arith.constant 0 : i32
    %c0_i32_1 = arith.constant 0 : i32
    return %arg0, %c0_i32, %c0_i32_0 : i32, i32, i32
  }
}

module attributes {stable_mosaic.version = 14 : i64} {
  func.func @_prep_body(%arg0: memref<1x8xi32, #tpu.memory_space<smem>>, %arg1: memref<32x128xf32, #tpu.memory_space<vmem>>, %arg2: memref<512x128xf32, #tpu.memory_space<vmem>>, %arg3: memref<128x128xf32, #tpu.memory_space<vmem>>, %arg4: memref<128x128xf32, #tpu.memory_space<vmem>>, %arg5: memref<128x128xf32, #tpu.memory_space<vmem>>, %arg6: memref<32x128xf32, #tpu.memory_space<vmem>>, %arg7: memref<32x8xf32, #tpu.memory_space<vmem>>, %arg8: memref<32x8xi32, #tpu.memory_space<vmem>>, %arg9: memref<32x128xi32, #tpu.memory_space<vmem>>) attributes {dimension_semantics = [], scalar_prefetch = 0 : i64, scratch_operands = 0 : i64, tpu.core_type = #tpu.core_type<tc>} {
    %get3A = arith.constant 0 : index
    %get3A_0 = arith.constant 0 : index
    %get3A_1 = vector.load %arg1[%get3A, %get3A_0] : memref<32x128xf32, #tpu.memory_space<vmem>>, vector<32x128xf32>
    %get3A_2 = arith.constant 0 : index
    %get3A_3 = arith.constant 0 : index
    %get3A_4 = vector.load %arg3[%get3A_2, %get3A_3] : memref<128x128xf32, #tpu.memory_space<vmem>>, vector<128x128xf32>
    %dot_general3A = arith.constant dense<0.000000e+00> : vector<32x128xf32>
    %dot_general3A_5 = tpu.matmul %get3A_1, %get3A_4, %dot_general3A {dimension_numbers = #tpu.dot_dimension_numbers<[1], [0], [0], [1], [0, 0, 1, 1], [], []>, transpose_lhs_hint = false} : vector<32x128xf32>, vector<128x128xf32>, vector<32x128xf32> -> vector<32x128xf32>
    %get3A_6 = arith.constant 0 : index
    %get3A_7 = arith.constant 0 : index
    %get3A_8 = vector.load %arg4[%get3A_6, %get3A_7] : memref<128x128xf32, #tpu.memory_space<vmem>>, vector<128x128xf32>
    %dot_general3A_9 = arith.constant dense<0.000000e+00> : vector<32x128xf32>
    %dot_general3A_10 = tpu.matmul %get3A_1, %get3A_8, %dot_general3A_9 {dimension_numbers = #tpu.dot_dimension_numbers<[1], [0], [0], [1], [0, 0, 1, 1], [], []>, transpose_lhs_hint = false} : vector<32x128xf32>, vector<128x128xf32>, vector<32x128xf32> -> vector<32x128xf32>
    %get3A_11 = arith.constant 0 : index
    %get3A_12 = arith.constant 0 : index
    %get3A_13 = vector.load %arg2[%get3A_11, %get3A_12] : memref<512x128xf32, #tpu.memory_space<vmem>>, vector<512x128xf32>
    %get3A_14 = arith.constant 0 : index
    %get3A_15 = arith.constant 0 : index
    %get3A_16 = vector.load %arg5[%get3A_14, %get3A_15] : memref<128x128xf32, #tpu.memory_space<vmem>>, vector<128x128xf32>
    %dot_general3A_17 = arith.constant dense<0.000000e+00> : vector<512x128xf32>
    %dot_general3A_18 = tpu.matmul %get3A_13, %get3A_16, %dot_general3A_17 {dimension_numbers = #tpu.dot_dimension_numbers<[1], [0], [0], [1], [0, 0, 1, 1], [], []>, transpose_lhs_hint = false} : vector<512x128xf32>, vector<128x128xf32>, vector<512x128xf32> -> vector<512x128xf32>
    %dot_general3A_19 = arith.constant dense<0.000000e+00> : vector<32x512xf32>
    %dot_general3A_20 = tpu.matmul %dot_general3A_5, %dot_general3A_18, %dot_general3A_19 {dimension_numbers = #tpu.dot_dimension_numbers<[1], [1], [0], [0], [0, 0, 1, 0], [], []>, transpose_lhs_hint = false} : vector<32x128xf32>, vector<512x128xf32>, vector<32x512xf32> -> vector<32x512xf32>
    %mul3A = arith.constant 0.0883883461 : f32
    %mul3A_21 = vector.broadcast %mul3A : f32 to vector<32x512xf32>
    %mul3A_22 = arith.mulf %dot_general3A_20, %mul3A_21 : vector<32x512xf32>
    %iota3A = tpu.iota {dimensions = array<i32: 1>} : vector<32x512xi32>
    %iota3A_23 = tpu.iota {dimensions = array<i32: 0>} : vector<32x512xi32>
    %jit3A = arith.constant 64 : i32
    %div3A = vector.broadcast %jit3A : i32 to vector<32x512xi32>
    %div3A_24 = arith.divsi %iota3A, %div3A : vector<32x512xi32>
    %sign3A = arith.constant 0 : i32
    %sign3A_25 = vector.broadcast %sign3A : i32 to vector<32x512xi32>
    %sign3A_26 = arith.cmpi sgt, %iota3A, %sign3A_25 : vector<32x512xi32>
    %sign3A_27 = arith.extui %sign3A_26 : vector<32x512xi1> to vector<32x512xi32>
    %sign3A_28 = arith.constant 0 : i32
    %sign3A_29 = vector.broadcast %sign3A_28 : i32 to vector<32x512xi32>
    %sign3A_30 = arith.cmpi slt, %iota3A, %sign3A_29 : vector<32x512xi32>
    %sign3A_31 = arith.extui %sign3A_30 : vector<32x512xi1> to vector<32x512xi32>
    %sign3A_32 = arith.subi %sign3A_27, %sign3A_31 : vector<32x512xi32>
    %sign3A_33 = arith.constant 0 : i32
    %sign3A_34 = arith.cmpi sgt, %jit3A, %sign3A_33 : i32
    %sign3A_35 = arith.extui %sign3A_34 : i1 to i32
    %sign3A_36 = arith.constant 0 : i32
    %sign3A_37 = arith.cmpi slt, %jit3A, %sign3A_36 : i32
    %sign3A_38 = arith.extui %sign3A_37 : i1 to i32
    %sign3A_39 = arith.subi %sign3A_35, %sign3A_38 : i32
    %ne3A = vector.broadcast %sign3A_39 : i32 to vector<32x512xi32>
    %ne3A_40 = arith.cmpi ne, %sign3A_32, %ne3A : vector<32x512xi32>
    %rem3A = vector.broadcast %jit3A : i32 to vector<32x512xi32>
    %rem3A_41 = arith.remsi %iota3A, %rem3A : vector<32x512xi32>
    %ne3A_42 = arith.constant 0 : i32
    %ne3A_43 = vector.broadcast %ne3A_42 : i32 to vector<32x512xi32>
    %ne3A_44 = arith.cmpi ne, %rem3A_41, %ne3A_43 : vector<32x512xi32>
    %and3A = arith.andi %ne3A_40, %ne3A_44 : vector<32x512xi1>
    %sub3A = arith.constant 1 : i32
    %sub3A_45 = vector.broadcast %sub3A : i32 to vector<32x512xi32>
    %sub3A_46 = arith.subi %div3A_24, %sub3A_45 : vector<32x512xi32>
    %select_n3A = arith.select %and3A, %sub3A_46, %div3A_24 : vector<32x512xi1>, vector<32x512xi32>
    %jit3A_47 = arith.constant 4 : i32
    %div3A_48 = vector.broadcast %jit3A_47 : i32 to vector<32x512xi32>
    %div3A_49 = arith.divsi %iota3A_23, %div3A_48 : vector<32x512xi32>
    %sign3A_50 = arith.constant 0 : i32
    %sign3A_51 = vector.broadcast %sign3A_50 : i32 to vector<32x512xi32>
    %sign3A_52 = arith.cmpi sgt, %iota3A_23, %sign3A_51 : vector<32x512xi32>
    %sign3A_53 = arith.extui %sign3A_52 : vector<32x512xi1> to vector<32x512xi32>
    %sign3A_54 = arith.constant 0 : i32
    %sign3A_55 = vector.broadcast %sign3A_54 : i32 to vector<32x512xi32>
    %sign3A_56 = arith.cmpi slt, %iota3A_23, %sign3A_55 : vector<32x512xi32>
    %sign3A_57 = arith.extui %sign3A_56 : vector<32x512xi1> to vector<32x512xi32>
    %sign3A_58 = arith.subi %sign3A_53, %sign3A_57 : vector<32x512xi32>
    %sign3A_59 = arith.constant 0 : i32
    %sign3A_60 = arith.cmpi sgt, %jit3A_47, %sign3A_59 : i32
    %sign3A_61 = arith.extui %sign3A_60 : i1 to i32
    %sign3A_62 = arith.constant 0 : i32
    %sign3A_63 = arith.cmpi slt, %jit3A_47, %sign3A_62 : i32
    %sign3A_64 = arith.extui %sign3A_63 : i1 to i32
    %sign3A_65 = arith.subi %sign3A_61, %sign3A_64 : i32
    %ne3A_66 = vector.broadcast %sign3A_65 : i32 to vector<32x512xi32>
    %ne3A_67 = arith.cmpi ne, %sign3A_58, %ne3A_66 : vector<32x512xi32>
    %rem3A_68 = vector.broadcast %jit3A_47 : i32 to vector<32x512xi32>
    %rem3A_69 = arith.remsi %iota3A_23, %rem3A_68 : vector<32x512xi32>
    %ne3A_70 = arith.constant 0 : i32
    %ne3A_71 = vector.broadcast %ne3A_70 : i32 to vector<32x512xi32>
    %ne3A_72 = arith.cmpi ne, %rem3A_69, %ne3A_71 : vector<32x512xi32>
    %and3A_73 = arith.andi %ne3A_67, %ne3A_72 : vector<32x512xi1>
    %sub3A_74 = arith.constant 1 : i32
    %sub3A_75 = vector.broadcast %sub3A_74 : i32 to vector<32x512xi32>
    %sub3A_76 = arith.subi %div3A_49, %sub3A_75 : vector<32x512xi32>
    %select_n3A_77 = arith.select %and3A_73, %sub3A_76, %div3A_49 : vector<32x512xi1>, vector<32x512xi32>
    %eq3A = arith.cmpi eq, %select_n3A, %select_n3A_77 : vector<32x512xi32>
    %broadcast_in_dim3A = arith.constant 0 : i32
    %broadcast_in_dim3A_78 = vector.broadcast %broadcast_in_dim3A : i32 to vector<32x512xi32>
    %jit3A_79 = arith.constant 4 : i32
    %div3A_80 = vector.broadcast %jit3A_79 : i32 to vector<32x512xi32>
    %div3A_81 = arith.divsi %iota3A_23, %div3A_80 : vector<32x512xi32>
    %sign3A_82 = arith.constant 0 : i32
    %sign3A_83 = vector.broadcast %sign3A_82 : i32 to vector<32x512xi32>
    %sign3A_84 = arith.cmpi sgt, %iota3A_23, %sign3A_83 : vector<32x512xi32>
    %sign3A_85 = arith.extui %sign3A_84 : vector<32x512xi1> to vector<32x512xi32>
    %sign3A_86 = arith.constant 0 : i32
    %sign3A_87 = vector.broadcast %sign3A_86 : i32 to vector<32x512xi32>
    %sign3A_88 = arith.cmpi slt, %iota3A_23, %sign3A_87 : vector<32x512xi32>
    %sign3A_89 = arith.extui %sign3A_88 : vector<32x512xi1> to vector<32x512xi32>
    %sign3A_90 = arith.subi %sign3A_85, %sign3A_89 : vector<32x512xi32>
    %sign3A_91 = arith.constant 0 : i32
    %sign3A_92 = arith.cmpi sgt, %jit3A_79, %sign3A_91 : i32
    %sign3A_93 = arith.extui %sign3A_92 : i1 to i32
    %sign3A_94 = arith.constant 0 : i32
    %sign3A_95 = arith.cmpi slt, %jit3A_79, %sign3A_94 : i32
    %sign3A_96 = arith.extui %sign3A_95 : i1 to i32
    %sign3A_97 = arith.subi %sign3A_93, %sign3A_96 : i32
    %ne3A_98 = vector.broadcast %sign3A_97 : i32 to vector<32x512xi32>
    %ne3A_99 = arith.cmpi ne, %sign3A_90, %ne3A_98 : vector<32x512xi32>
    %rem3A_100 = vector.broadcast %jit3A_79 : i32 to vector<32x512xi32>
    %rem3A_101 = arith.remsi %iota3A_23, %rem3A_100 : vector<32x512xi32>
    %ne3A_102 = arith.constant 0 : i32
    %ne3A_103 = vector.broadcast %ne3A_102 : i32 to vector<32x512xi32>
    %ne3A_104 = arith.cmpi ne, %rem3A_101, %ne3A_103 : vector<32x512xi32>
    %and3A_105 = arith.andi %ne3A_99, %ne3A_104 : vector<32x512xi1>
    %sub3A_106 = arith.constant 1 : i32
    %sub3A_107 = vector.broadcast %sub3A_106 : i32 to vector<32x512xi32>
    %sub3A_108 = arith.subi %div3A_81, %sub3A_107 : vector<32x512xi32>
    %select_n3A_109 = arith.select %and3A_105, %sub3A_108, %div3A_81 : vector<32x512xi1>, vector<32x512xi32>
    %eq3A_110 = arith.constant 0 : i32
    %eq3A_111 = vector.broadcast %eq3A_110 : i32 to vector<32x512xi32>
    %eq3A_112 = arith.cmpi eq, %select_n3A_109, %eq3A_111 : vector<32x512xi32>
    %get3A_113 = arith.constant 0 : index
    %get3A_114 = arith.constant 0 : index
    %get3A_115 = memref.load %arg0[%get3A_113, %get3A_114] : memref<1x8xi32, #tpu.memory_space<smem>>
    %broadcast_in_dim3A_116 = vector.broadcast %get3A_115 : i32 to vector<32x512xi32>
    %select_n3A_117 = arith.select %eq3A_112, %broadcast_in_dim3A_116, %broadcast_in_dim3A_78 : vector<32x512xi1>, vector<32x512xi32>
    %jit3A_118 = arith.constant 4 : i32
    %div3A_119 = vector.broadcast %jit3A_118 : i32 to vector<32x512xi32>
    %div3A_120 = arith.divsi %iota3A_23, %div3A_119 : vector<32x512xi32>
    %sign3A_121 = arith.constant 0 : i32
    %sign3A_122 = vector.broadcast %sign3A_121 : i32 to vector<32x512xi32>
    %sign3A_123 = arith.cmpi sgt, %iota3A_23, %sign3A_122 : vector<32x512xi32>
    %sign3A_124 = arith.extui %sign3A_123 : vector<32x512xi1> to vector<32x512xi32>
    %sign3A_125 = arith.constant 0 : i32
    %sign3A_126 = vector.broadcast %sign3A_125 : i32 to vector<32x512xi32>
    %sign3A_127 = arith.cmpi slt, %iota3A_23, %sign3A_126 : vector<32x512xi32>
    %sign3A_128 = arith.extui %sign3A_127 : vector<32x512xi1> to vector<32x512xi32>
    %sign3A_129 = arith.subi %sign3A_124, %sign3A_128 : vector<32x512xi32>
    %sign3A_130 = arith.constant 0 : i32
    %sign3A_131 = arith.cmpi sgt, %jit3A_118, %sign3A_130 : i32
    %sign3A_132 = arith.extui %sign3A_131 : i1 to i32
    %sign3A_133 = arith.constant 0 : i32
    %sign3A_134 = arith.cmpi slt, %jit3A_118, %sign3A_133 : i32
    %sign3A_135 = arith.extui %sign3A_134 : i1 to i32
    %sign3A_136 = arith.subi %sign3A_132, %sign3A_135 : i32
    %ne3A_137 = vector.broadcast %sign3A_136 : i32 to vector<32x512xi32>
    %ne3A_138 = arith.cmpi ne, %sign3A_129, %ne3A_137 : vector<32x512xi32>
    %rem3A_139 = vector.broadcast %jit3A_118 : i32 to vector<32x512xi32>
    %rem3A_140 = arith.remsi %iota3A_23, %rem3A_139 : vector<32x512xi32>
    %ne3A_141 = arith.constant 0 : i32
    %ne3A_142 = vector.broadcast %ne3A_141 : i32 to vector<32x512xi32>
    %ne3A_143 = arith.cmpi ne, %rem3A_140, %ne3A_142 : vector<32x512xi32>
    %and3A_144 = arith.andi %ne3A_138, %ne3A_143 : vector<32x512xi1>
    %sub3A_145 = arith.constant 1 : i32
    %sub3A_146 = vector.broadcast %sub3A_145 : i32 to vector<32x512xi32>
    %sub3A_147 = arith.subi %div3A_120, %sub3A_146 : vector<32x512xi32>
    %select_n3A_148 = arith.select %and3A_144, %sub3A_147, %div3A_120 : vector<32x512xi1>, vector<32x512xi32>
    %eq3A_149 = arith.constant 1 : i32
    %eq3A_150 = vector.broadcast %eq3A_149 : i32 to vector<32x512xi32>
    %eq3A_151 = arith.cmpi eq, %select_n3A_148, %eq3A_150 : vector<32x512xi32>
    %get3A_152 = arith.constant 0 : index
    %get3A_153 = arith.constant 1 : index
    %get3A_154 = memref.load %arg0[%get3A_152, %get3A_153] : memref<1x8xi32, #tpu.memory_space<smem>>
    %broadcast_in_dim3A_155 = vector.broadcast %get3A_154 : i32 to vector<32x512xi32>
    %select_n3A_156 = arith.select %eq3A_151, %broadcast_in_dim3A_155, %select_n3A_117 : vector<32x512xi1>, vector<32x512xi32>
    %jit3A_157 = arith.constant 4 : i32
    %div3A_158 = vector.broadcast %jit3A_157 : i32 to vector<32x512xi32>
    %div3A_159 = arith.divsi %iota3A_23, %div3A_158 : vector<32x512xi32>
    %sign3A_160 = arith.constant 0 : i32
    %sign3A_161 = vector.broadcast %sign3A_160 : i32 to vector<32x512xi32>
    %sign3A_162 = arith.cmpi sgt, %iota3A_23, %sign3A_161 : vector<32x512xi32>
    %sign3A_163 = arith.extui %sign3A_162 : vector<32x512xi1> to vector<32x512xi32>
    %sign3A_164 = arith.constant 0 : i32
    %sign3A_165 = vector.broadcast %sign3A_164 : i32 to vector<32x512xi32>
    %sign3A_166 = arith.cmpi slt, %iota3A_23, %sign3A_165 : vector<32x512xi32>
    %sign3A_167 = arith.extui %sign3A_166 : vector<32x512xi1> to vector<32x512xi32>
    %sign3A_168 = arith.subi %sign3A_163, %sign3A_167 : vector<32x512xi32>
    %sign3A_169 = arith.constant 0 : i32
    %sign3A_170 = arith.cmpi sgt, %jit3A_157, %sign3A_169 : i32
    %sign3A_171 = arith.extui %sign3A_170 : i1 to i32
    %sign3A_172 = arith.constant 0 : i32
    %sign3A_173 = arith.cmpi slt, %jit3A_157, %sign3A_172 : i32
    %sign3A_174 = arith.extui %sign3A_173 : i1 to i32
    %sign3A_175 = arith.subi %sign3A_171, %sign3A_174 : i32
    %ne3A_176 = vector.broadcast %sign3A_175 : i32 to vector<32x512xi32>
    %ne3A_177 = arith.cmpi ne, %sign3A_168, %ne3A_176 : vector<32x512xi32>
    %rem3A_178 = vector.broadcast %jit3A_157 : i32 to vector<32x512xi32>
    %rem3A_179 = arith.remsi %iota3A_23, %rem3A_178 : vector<32x512xi32>
    %ne3A_180 = arith.constant 0 : i32
    %ne3A_181 = vector.broadcast %ne3A_180 : i32 to vector<32x512xi32>
    %ne3A_182 = arith.cmpi ne, %rem3A_179, %ne3A_181 : vector<32x512xi32>
    %and3A_183 = arith.andi %ne3A_177, %ne3A_182 : vector<32x512xi1>
    %sub3A_184 = arith.constant 1 : i32
    %sub3A_185 = vector.broadcast %sub3A_184 : i32 to vector<32x512xi32>
    %sub3A_186 = arith.subi %div3A_159, %sub3A_185 : vector<32x512xi32>
    %select_n3A_187 = arith.select %and3A_183, %sub3A_186, %div3A_159 : vector<32x512xi1>, vector<32x512xi32>
    %eq3A_188 = arith.constant 2 : i32
    %eq3A_189 = vector.broadcast %eq3A_188 : i32 to vector<32x512xi32>
    %eq3A_190 = arith.cmpi eq, %select_n3A_187, %eq3A_189 : vector<32x512xi32>
    %get3A_191 = arith.constant 0 : index
    %get3A_192 = arith.constant 2 : index
    %get3A_193 = memref.load %arg0[%get3A_191, %get3A_192] : memref<1x8xi32, #tpu.memory_space<smem>>
    %broadcast_in_dim3A_194 = vector.broadcast %get3A_193 : i32 to vector<32x512xi32>
    %select_n3A_195 = arith.select %eq3A_190, %broadcast_in_dim3A_194, %select_n3A_156 : vector<32x512xi1>, vector<32x512xi32>
    %jit3A_196 = arith.constant 4 : i32
    %div3A_197 = vector.broadcast %jit3A_196 : i32 to vector<32x512xi32>
    %div3A_198 = arith.divsi %iota3A_23, %div3A_197 : vector<32x512xi32>
    %sign3A_199 = arith.constant 0 : i32
    %sign3A_200 = vector.broadcast %sign3A_199 : i32 to vector<32x512xi32>
    %sign3A_201 = arith.cmpi sgt, %iota3A_23, %sign3A_200 : vector<32x512xi32>
    %sign3A_202 = arith.extui %sign3A_201 : vector<32x512xi1> to vector<32x512xi32>
    %sign3A_203 = arith.constant 0 : i32
    %sign3A_204 = vector.broadcast %sign3A_203 : i32 to vector<32x512xi32>
    %sign3A_205 = arith.cmpi slt, %iota3A_23, %sign3A_204 : vector<32x512xi32>
    %sign3A_206 = arith.extui %sign3A_205 : vector<32x512xi1> to vector<32x512xi32>
    %sign3A_207 = arith.subi %sign3A_202, %sign3A_206 : vector<32x512xi32>
    %sign3A_208 = arith.constant 0 : i32
    %sign3A_209 = arith.cmpi sgt, %jit3A_196, %sign3A_208 : i32
    %sign3A_210 = arith.extui %sign3A_209 : i1 to i32
    %sign3A_211 = arith.constant 0 : i32
    %sign3A_212 = arith.cmpi slt, %jit3A_196, %sign3A_211 : i32
    %sign3A_213 = arith.extui %sign3A_212 : i1 to i32
    %sign3A_214 = arith.subi %sign3A_210, %sign3A_213 : i32
    %ne3A_215 = vector.broadcast %sign3A_214 : i32 to vector<32x512xi32>
    %ne3A_216 = arith.cmpi ne, %sign3A_207, %ne3A_215 : vector<32x512xi32>
    %rem3A_217 = vector.broadcast %jit3A_196 : i32 to vector<32x512xi32>
    %rem3A_218 = arith.remsi %iota3A_23, %rem3A_217 : vector<32x512xi32>
    %ne3A_219 = arith.constant 0 : i32
    %ne3A_220 = vector.broadcast %ne3A_219 : i32 to vector<32x512xi32>
    %ne3A_221 = arith.cmpi ne, %rem3A_218, %ne3A_220 : vector<32x512xi32>
    %and3A_222 = arith.andi %ne3A_216, %ne3A_221 : vector<32x512xi1>
    %sub3A_223 = arith.constant 1 : i32
    %sub3A_224 = vector.broadcast %sub3A_223 : i32 to vector<32x512xi32>
    %sub3A_225 = arith.subi %div3A_198, %sub3A_224 : vector<32x512xi32>
    %select_n3A_226 = arith.select %and3A_222, %sub3A_225, %div3A_198 : vector<32x512xi1>, vector<32x512xi32>
    %eq3A_227 = arith.constant 3 : i32
    %eq3A_228 = vector.broadcast %eq3A_227 : i32 to vector<32x512xi32>
    %eq3A_229 = arith.cmpi eq, %select_n3A_226, %eq3A_228 : vector<32x512xi32>
    %get3A_230 = arith.constant 0 : index
    %get3A_231 = arith.constant 3 : index
    %get3A_232 = memref.load %arg0[%get3A_230, %get3A_231] : memref<1x8xi32, #tpu.memory_space<smem>>
    %broadcast_in_dim3A_233 = vector.broadcast %get3A_232 : i32 to vector<32x512xi32>
    %select_n3A_234 = arith.select %eq3A_229, %broadcast_in_dim3A_233, %select_n3A_195 : vector<32x512xi1>, vector<32x512xi32>
    %jit3A_235 = arith.constant 4 : i32
    %div3A_236 = vector.broadcast %jit3A_235 : i32 to vector<32x512xi32>
    %div3A_237 = arith.divsi %iota3A_23, %div3A_236 : vector<32x512xi32>
    %sign3A_238 = arith.constant 0 : i32
    %sign3A_239 = vector.broadcast %sign3A_238 : i32 to vector<32x512xi32>
    %sign3A_240 = arith.cmpi sgt, %iota3A_23, %sign3A_239 : vector<32x512xi32>
    %sign3A_241 = arith.extui %sign3A_240 : vector<32x512xi1> to vector<32x512xi32>
    %sign3A_242 = arith.constant 0 : i32
    %sign3A_243 = vector.broadcast %sign3A_242 : i32 to vector<32x512xi32>
    %sign3A_244 = arith.cmpi slt, %iota3A_23, %sign3A_243 : vector<32x512xi32>
    %sign3A_245 = arith.extui %sign3A_244 : vector<32x512xi1> to vector<32x512xi32>
    %sign3A_246 = arith.subi %sign3A_241, %sign3A_245 : vector<32x512xi32>
    %sign3A_247 = arith.constant 0 : i32
    %sign3A_248 = arith.cmpi sgt, %jit3A_235, %sign3A_247 : i32
    %sign3A_249 = arith.extui %sign3A_248 : i1 to i32
    %sign3A_250 = arith.constant 0 : i32
    %sign3A_251 = arith.cmpi slt, %jit3A_235, %sign3A_250 : i32
    %sign3A_252 = arith.extui %sign3A_251 : i1 to i32
    %sign3A_253 = arith.subi %sign3A_249, %sign3A_252 : i32
    %ne3A_254 = vector.broadcast %sign3A_253 : i32 to vector<32x512xi32>
    %ne3A_255 = arith.cmpi ne, %sign3A_246, %ne3A_254 : vector<32x512xi32>
    %rem3A_256 = vector.broadcast %jit3A_235 : i32 to vector<32x512xi32>
    %rem3A_257 = arith.remsi %iota3A_23, %rem3A_256 : vector<32x512xi32>
    %ne3A_258 = arith.constant 0 : i32
    %ne3A_259 = vector.broadcast %ne3A_258 : i32 to vector<32x512xi32>
    %ne3A_260 = arith.cmpi ne, %rem3A_257, %ne3A_259 : vector<32x512xi32>
    %and3A_261 = arith.andi %ne3A_255, %ne3A_260 : vector<32x512xi1>
    %sub3A_262 = arith.constant 1 : i32
    %sub3A_263 = vector.broadcast %sub3A_262 : i32 to vector<32x512xi32>
    %sub3A_264 = arith.subi %div3A_237, %sub3A_263 : vector<32x512xi32>
    %select_n3A_265 = arith.select %and3A_261, %sub3A_264, %div3A_237 : vector<32x512xi1>, vector<32x512xi32>
    %eq3A_266 = arith.constant 4 : i32
    %eq3A_267 = vector.broadcast %eq3A_266 : i32 to vector<32x512xi32>
    %eq3A_268 = arith.cmpi eq, %select_n3A_265, %eq3A_267 : vector<32x512xi32>
    %get3A_269 = arith.constant 0 : index
    %get3A_270 = arith.constant 4 : index
    %get3A_271 = memref.load %arg0[%get3A_269, %get3A_270] : memref<1x8xi32, #tpu.memory_space<smem>>
    %broadcast_in_dim3A_272 = vector.broadcast %get3A_271 : i32 to vector<32x512xi32>
    %select_n3A_273 = arith.select %eq3A_268, %broadcast_in_dim3A_272, %select_n3A_234 : vector<32x512xi1>, vector<32x512xi32>
    %jit3A_274 = arith.constant 4 : i32
    %div3A_275 = vector.broadcast %jit3A_274 : i32 to vector<32x512xi32>
    %div3A_276 = arith.divsi %iota3A_23, %div3A_275 : vector<32x512xi32>
    %sign3A_277 = arith.constant 0 : i32
    %sign3A_278 = vector.broadcast %sign3A_277 : i32 to vector<32x512xi32>
    %sign3A_279 = arith.cmpi sgt, %iota3A_23, %sign3A_278 : vector<32x512xi32>
    %sign3A_280 = arith.extui %sign3A_279 : vector<32x512xi1> to vector<32x512xi32>
    %sign3A_281 = arith.constant 0 : i32
    %sign3A_282 = vector.broadcast %sign3A_281 : i32 to vector<32x512xi32>
    %sign3A_283 = arith.cmpi slt, %iota3A_23, %sign3A_282 : vector<32x512xi32>
    %sign3A_284 = arith.extui %sign3A_283 : vector<32x512xi1> to vector<32x512xi32>
    %sign3A_285 = arith.subi %sign3A_280, %sign3A_284 : vector<32x512xi32>
    %sign3A_286 = arith.constant 0 : i32
    %sign3A_287 = arith.cmpi sgt, %jit3A_274, %sign3A_286 : i32
    %sign3A_288 = arith.extui %sign3A_287 : i1 to i32
    %sign3A_289 = arith.constant 0 : i32
    %sign3A_290 = arith.cmpi slt, %jit3A_274, %sign3A_289 : i32
    %sign3A_291 = arith.extui %sign3A_290 : i1 to i32
    %sign3A_292 = arith.subi %sign3A_288, %sign3A_291 : i32
    %ne3A_293 = vector.broadcast %sign3A_292 : i32 to vector<32x512xi32>
    %ne3A_294 = arith.cmpi ne, %sign3A_285, %ne3A_293 : vector<32x512xi32>
    %rem3A_295 = vector.broadcast %jit3A_274 : i32 to vector<32x512xi32>
    %rem3A_296 = arith.remsi %iota3A_23, %rem3A_295 : vector<32x512xi32>
    %ne3A_297 = arith.constant 0 : i32
    %ne3A_298 = vector.broadcast %ne3A_297 : i32 to vector<32x512xi32>
    %ne3A_299 = arith.cmpi ne, %rem3A_296, %ne3A_298 : vector<32x512xi32>
    %and3A_300 = arith.andi %ne3A_294, %ne3A_299 : vector<32x512xi1>
    %sub3A_301 = arith.constant 1 : i32
    %sub3A_302 = vector.broadcast %sub3A_301 : i32 to vector<32x512xi32>
    %sub3A_303 = arith.subi %div3A_276, %sub3A_302 : vector<32x512xi32>
    %select_n3A_304 = arith.select %and3A_300, %sub3A_303, %div3A_276 : vector<32x512xi1>, vector<32x512xi32>
    %eq3A_305 = arith.constant 5 : i32
    %eq3A_306 = vector.broadcast %eq3A_305 : i32 to vector<32x512xi32>
    %eq3A_307 = arith.cmpi eq, %select_n3A_304, %eq3A_306 : vector<32x512xi32>
    %get3A_308 = arith.constant 0 : index
    %get3A_309 = arith.constant 5 : index
    %get3A_310 = memref.load %arg0[%get3A_308, %get3A_309] : memref<1x8xi32, #tpu.memory_space<smem>>
    %broadcast_in_dim3A_311 = vector.broadcast %get3A_310 : i32 to vector<32x512xi32>
    %select_n3A_312 = arith.select %eq3A_307, %broadcast_in_dim3A_311, %select_n3A_273 : vector<32x512xi1>, vector<32x512xi32>
    %jit3A_313 = arith.constant 4 : i32
    %div3A_314 = vector.broadcast %jit3A_313 : i32 to vector<32x512xi32>
    %div3A_315 = arith.divsi %iota3A_23, %div3A_314 : vector<32x512xi32>
    %sign3A_316 = arith.constant 0 : i32
    %sign3A_317 = vector.broadcast %sign3A_316 : i32 to vector<32x512xi32>
    %sign3A_318 = arith.cmpi sgt, %iota3A_23, %sign3A_317 : vector<32x512xi32>
    %sign3A_319 = arith.extui %sign3A_318 : vector<32x512xi1> to vector<32x512xi32>
    %sign3A_320 = arith.constant 0 : i32
    %sign3A_321 = vector.broadcast %sign3A_320 : i32 to vector<32x512xi32>
    %sign3A_322 = arith.cmpi slt, %iota3A_23, %sign3A_321 : vector<32x512xi32>
    %sign3A_323 = arith.extui %sign3A_322 : vector<32x512xi1> to vector<32x512xi32>
    %sign3A_324 = arith.subi %sign3A_319, %sign3A_323 : vector<32x512xi32>
    %sign3A_325 = arith.constant 0 : i32
    %sign3A_326 = arith.cmpi sgt, %jit3A_313, %sign3A_325 : i32
    %sign3A_327 = arith.extui %sign3A_326 : i1 to i32
    %sign3A_328 = arith.constant 0 : i32
    %sign3A_329 = arith.cmpi slt, %jit3A_313, %sign3A_328 : i32
    %sign3A_330 = arith.extui %sign3A_329 : i1 to i32
    %sign3A_331 = arith.subi %sign3A_327, %sign3A_330 : i32
    %ne3A_332 = vector.broadcast %sign3A_331 : i32 to vector<32x512xi32>
    %ne3A_333 = arith.cmpi ne, %sign3A_324, %ne3A_332 : vector<32x512xi32>
    %rem3A_334 = vector.broadcast %jit3A_313 : i32 to vector<32x512xi32>
    %rem3A_335 = arith.remsi %iota3A_23, %rem3A_334 : vector<32x512xi32>
    %ne3A_336 = arith.constant 0 : i32
    %ne3A_337 = vector.broadcast %ne3A_336 : i32 to vector<32x512xi32>
    %ne3A_338 = arith.cmpi ne, %rem3A_335, %ne3A_337 : vector<32x512xi32>
    %and3A_339 = arith.andi %ne3A_333, %ne3A_338 : vector<32x512xi1>
    %sub3A_340 = arith.constant 1 : i32
    %sub3A_341 = vector.broadcast %sub3A_340 : i32 to vector<32x512xi32>
    %sub3A_342 = arith.subi %div3A_315, %sub3A_341 : vector<32x512xi32>
    %select_n3A_343 = arith.select %and3A_339, %sub3A_342, %div3A_315 : vector<32x512xi1>, vector<32x512xi32>
    %eq3A_344 = arith.constant 6 : i32
    %eq3A_345 = vector.broadcast %eq3A_344 : i32 to vector<32x512xi32>
    %eq3A_346 = arith.cmpi eq, %select_n3A_343, %eq3A_345 : vector<32x512xi32>
    %get3A_347 = arith.constant 0 : index
    %get3A_348 = arith.constant 6 : index
    %get3A_349 = memref.load %arg0[%get3A_347, %get3A_348] : memref<1x8xi32, #tpu.memory_space<smem>>
    %broadcast_in_dim3A_350 = vector.broadcast %get3A_349 : i32 to vector<32x512xi32>
    %select_n3A_351 = arith.select %eq3A_346, %broadcast_in_dim3A_350, %select_n3A_312 : vector<32x512xi1>, vector<32x512xi32>
    %jit3A_352 = arith.constant 4 : i32
    %div3A_353 = vector.broadcast %jit3A_352 : i32 to vector<32x512xi32>
    %div3A_354 = arith.divsi %iota3A_23, %div3A_353 : vector<32x512xi32>
    %sign3A_355 = arith.constant 0 : i32
    %sign3A_356 = vector.broadcast %sign3A_355 : i32 to vector<32x512xi32>
    %sign3A_357 = arith.cmpi sgt, %iota3A_23, %sign3A_356 : vector<32x512xi32>
    %sign3A_358 = arith.extui %sign3A_357 : vector<32x512xi1> to vector<32x512xi32>
    %sign3A_359 = arith.constant 0 : i32
    %sign3A_360 = vector.broadcast %sign3A_359 : i32 to vector<32x512xi32>
    %sign3A_361 = arith.cmpi slt, %iota3A_23, %sign3A_360 : vector<32x512xi32>
    %sign3A_362 = arith.extui %sign3A_361 : vector<32x512xi1> to vector<32x512xi32>
    %sign3A_363 = arith.subi %sign3A_358, %sign3A_362 : vector<32x512xi32>
    %sign3A_364 = arith.constant 0 : i32
    %sign3A_365 = arith.cmpi sgt, %jit3A_352, %sign3A_364 : i32
    %sign3A_366 = arith.extui %sign3A_365 : i1 to i32
    %sign3A_367 = arith.constant 0 : i32
    %sign3A_368 = arith.cmpi slt, %jit3A_352, %sign3A_367 : i32
    %sign3A_369 = arith.extui %sign3A_368 : i1 to i32
    %sign3A_370 = arith.subi %sign3A_366, %sign3A_369 : i32
    %ne3A_371 = vector.broadcast %sign3A_370 : i32 to vector<32x512xi32>
    %ne3A_372 = arith.cmpi ne, %sign3A_363, %ne3A_371 : vector<32x512xi32>
    %rem3A_373 = vector.broadcast %jit3A_352 : i32 to vector<32x512xi32>
    %rem3A_374 = arith.remsi %iota3A_23, %rem3A_373 : vector<32x512xi32>
    %ne3A_375 = arith.constant 0 : i32
    %ne3A_376 = vector.broadcast %ne3A_375 : i32 to vector<32x512xi32>
    %ne3A_377 = arith.cmpi ne, %rem3A_374, %ne3A_376 : vector<32x512xi32>
    %and3A_378 = arith.andi %ne3A_372, %ne3A_377 : vector<32x512xi1>
    %sub3A_379 = arith.constant 1 : i32
    %sub3A_380 = vector.broadcast %sub3A_379 : i32 to vector<32x512xi32>
    %sub3A_381 = arith.subi %div3A_354, %sub3A_380 : vector<32x512xi32>
    %select_n3A_382 = arith.select %and3A_378, %sub3A_381, %div3A_354 : vector<32x512xi1>, vector<32x512xi32>
    %eq3A_383 = arith.constant 7 : i32
    %eq3A_384 = vector.broadcast %eq3A_383 : i32 to vector<32x512xi32>
    %eq3A_385 = arith.cmpi eq, %select_n3A_382, %eq3A_384 : vector<32x512xi32>
    %get3A_386 = arith.constant 0 : index
    %get3A_387 = arith.constant 7 : index
    %get3A_388 = memref.load %arg0[%get3A_386, %get3A_387] : memref<1x8xi32, #tpu.memory_space<smem>>
    %broadcast_in_dim3A_389 = vector.broadcast %get3A_388 : i32 to vector<32x512xi32>
    %select_n3A_390 = arith.select %eq3A_385, %broadcast_in_dim3A_389, %select_n3A_351 : vector<32x512xi1>, vector<32x512xi32>
    %jit3A_391 = arith.constant 64 : i32
    %eq3A_392 = arith.constant 0 : i32
    %eq3A_393 = arith.cmpi eq, %jit3A_391, %eq3A_392 : i32
    %jit3A_394 = arith.constant 1 : i32
    %select_n3A_395 = arith.select %eq3A_393, %jit3A_394, %jit3A_391 : i32
    %rem3A_396 = vector.broadcast %select_n3A_395 : i32 to vector<32x512xi32>
    %rem3A_397 = arith.remsi %iota3A, %rem3A_396 : vector<32x512xi32>
    %ne3A_398 = arith.constant 0 : i32
    %ne3A_399 = vector.broadcast %ne3A_398 : i32 to vector<32x512xi32>
    %ne3A_400 = arith.cmpi ne, %rem3A_397, %ne3A_399 : vector<32x512xi32>
    %lt3A = arith.constant 0 : i32
    %lt3A_401 = vector.broadcast %lt3A : i32 to vector<32x512xi32>
    %lt3A_402 = arith.cmpi slt, %rem3A_397, %lt3A_401 : vector<32x512xi32>
    %lt3A_403 = arith.constant 0 : i32
    %lt3A_404 = arith.cmpi slt, %select_n3A_395, %lt3A_403 : i32
    %ne3A_405 = vector.broadcast %lt3A_404 : i1 to vector<32x512xi1>
    %ne3A_406 = vector.broadcast %ne3A_405 : vector<32x512xi1> to vector<32x512xi1>
    %ne3A_407 = arith.xori %lt3A_402, %ne3A_406 : vector<32x512xi1>
    %and3A_408 = arith.andi %ne3A_407, %ne3A_400 : vector<32x512xi1>
    %add3A = vector.broadcast %select_n3A_395 : i32 to vector<32x512xi32>
    %add3A_409 = arith.addi %rem3A_397, %add3A : vector<32x512xi32>
    %select_n3A_410 = arith.select %and3A_408, %add3A_409, %rem3A_397 : vector<32x512xi1>, vector<32x512xi32>
    %lt3A_411 = arith.cmpi slt, %select_n3A_410, %select_n3A_390 : vector<32x512xi32>
    %and3A_412 = arith.andi %eq3A, %lt3A_411 : vector<32x512xi1>
    %jit3A_413 = arith.constant -1.000000e+06 : f32
    %jit3A_414 = arith.constant -1.000000e+30 : f32
    %broadcast_in_dim3A_415 = vector.broadcast %jit3A_413 : f32 to vector<32x512xf32>
    %broadcast_in_dim3A_416 = vector.broadcast %jit3A_414 : f32 to vector<32x512xf32>
    %select_n3A_417 = arith.select %eq3A, %broadcast_in_dim3A_415, %broadcast_in_dim3A_416 : vector<32x512xi1>, vector<32x512xf32>
    %select_n3A_418 = arith.select %and3A_412, %mul3A_22, %select_n3A_417 : vector<32x512xi1>, vector<32x512xf32>
    %reduce_max3A = arith.constant dense<0xFF800000> : vector<32xf32>
    %reduce_max3A_419 = vector.multi_reduction <maximumf>, %select_n3A_418, %reduce_max3A [1] : vector<32x512xf32> to vector<32xf32>
    %broadcast_in_dim3A_420 = vector.shape_cast %reduce_max3A_419 : vector<32xf32> to vector<32x1xf32>
    %eq3A_421 = vector.broadcast %broadcast_in_dim3A_420 : vector<32x1xf32> to vector<32x512xf32>
    %eq3A_422 = arith.cmpf oeq, %select_n3A_418, %eq3A_421 : vector<32x512xf32>
    %jit3A_423 = arith.constant 1073741824 : i32
    %broadcast_in_dim3A_424 = vector.broadcast %jit3A_423 : i32 to vector<32x512xi32>
    %select_n3A_425 = arith.select %eq3A_422, %iota3A, %broadcast_in_dim3A_424 : vector<32x512xi1>, vector<32x512xi32>
    %reduce_min3A = arith.constant dense<2147483647> : vector<32xi32>
    %reduce_min3A_426 = vector.multi_reduction <minsi>, %select_n3A_425, %reduce_min3A [1] : vector<32x512xi32> to vector<32xi32>
    %broadcast_in_dim3A_427 = vector.shape_cast %reduce_min3A_426 : vector<32xi32> to vector<32x1xi32>
    %eq3A_428 = vector.broadcast %broadcast_in_dim3A_427 : vector<32x1xi32> to vector<32x512xi32>
    %eq3A_429 = arith.cmpi eq, %iota3A, %eq3A_428 : vector<32x512xi32>
    %jit3A_430 = arith.constant -3.000000e+30 : f32
    %broadcast_in_dim3A_431 = vector.broadcast %jit3A_430 : f32 to vector<32x512xf32>
    %select_n3A_432 = arith.select %eq3A_429, %broadcast_in_dim3A_431, %select_n3A_418 : vector<32x512xi1>, vector<32x512xf32>
    %reduce_max3A_433 = arith.constant dense<0xFF800000> : vector<32xf32>
    %reduce_max3A_434 = vector.multi_reduction <maximumf>, %select_n3A_432, %reduce_max3A_433 [1] : vector<32x512xf32> to vector<32xf32>
    %broadcast_in_dim3A_435 = vector.shape_cast %reduce_max3A_434 : vector<32xf32> to vector<32x1xf32>
    %eq3A_436 = vector.broadcast %broadcast_in_dim3A_435 : vector<32x1xf32> to vector<32x512xf32>
    %eq3A_437 = arith.cmpf oeq, %select_n3A_432, %eq3A_436 : vector<32x512xf32>
    %jit3A_438 = arith.constant 1073741824 : i32
    %broadcast_in_dim3A_439 = vector.broadcast %jit3A_438 : i32 to vector<32x512xi32>
    %select_n3A_440 = arith.select %eq3A_437, %iota3A, %broadcast_in_dim3A_439 : vector<32x512xi1>, vector<32x512xi32>
    %reduce_min3A_441 = arith.constant dense<2147483647> : vector<32xi32>
    %reduce_min3A_442 = vector.multi_reduction <minsi>, %select_n3A_440, %reduce_min3A_441 [1] : vector<32x512xi32> to vector<32xi32>
    %broadcast_in_dim3A_443 = vector.shape_cast %reduce_min3A_442 : vector<32xi32> to vector<32x1xi32>
    %eq3A_444 = vector.broadcast %broadcast_in_dim3A_443 : vector<32x1xi32> to vector<32x512xi32>
    %eq3A_445 = arith.cmpi eq, %iota3A, %eq3A_444 : vector<32x512xi32>
    %jit3A_446 = arith.constant -3.000000e+30 : f32
    %broadcast_in_dim3A_447 = vector.broadcast %jit3A_446 : f32 to vector<32x512xf32>
    %select_n3A_448 = arith.select %eq3A_445, %broadcast_in_dim3A_447, %select_n3A_432 : vector<32x512xi1>, vector<32x512xf32>
    %reduce_max3A_449 = arith.constant dense<0xFF800000> : vector<32xf32>
    %reduce_max3A_450 = vector.multi_reduction <maximumf>, %select_n3A_448, %reduce_max3A_449 [1] : vector<32x512xf32> to vector<32xf32>
    %broadcast_in_dim3A_451 = vector.shape_cast %reduce_max3A_450 : vector<32xf32> to vector<32x1xf32>
    %eq3A_452 = vector.broadcast %broadcast_in_dim3A_451 : vector<32x1xf32> to vector<32x512xf32>
    %eq3A_453 = arith.cmpf oeq, %select_n3A_448, %eq3A_452 : vector<32x512xf32>
    %jit3A_454 = arith.constant 1073741824 : i32
    %broadcast_in_dim3A_455 = vector.broadcast %jit3A_454 : i32 to vector<32x512xi32>
    %select_n3A_456 = arith.select %eq3A_453, %iota3A, %broadcast_in_dim3A_455 : vector<32x512xi1>, vector<32x512xi32>
    %reduce_min3A_457 = arith.constant dense<2147483647> : vector<32xi32>
    %reduce_min3A_458 = vector.multi_reduction <minsi>, %select_n3A_456, %reduce_min3A_457 [1] : vector<32x512xi32> to vector<32xi32>
    %broadcast_in_dim3A_459 = vector.shape_cast %reduce_min3A_458 : vector<32xi32> to vector<32x1xi32>
    %eq3A_460 = vector.broadcast %broadcast_in_dim3A_459 : vector<32x1xi32> to vector<32x512xi32>
    %eq3A_461 = arith.cmpi eq, %iota3A, %eq3A_460 : vector<32x512xi32>
    %jit3A_462 = arith.constant -3.000000e+30 : f32
    %broadcast_in_dim3A_463 = vector.broadcast %jit3A_462 : f32 to vector<32x512xf32>
    %select_n3A_464 = arith.select %eq3A_461, %broadcast_in_dim3A_463, %select_n3A_448 : vector<32x512xi1>, vector<32x512xf32>
    %reduce_max3A_465 = arith.constant dense<0xFF800000> : vector<32xf32>
    %reduce_max3A_466 = vector.multi_reduction <maximumf>, %select_n3A_464, %reduce_max3A_465 [1] : vector<32x512xf32> to vector<32xf32>
    %broadcast_in_dim3A_467 = vector.shape_cast %reduce_max3A_466 : vector<32xf32> to vector<32x1xf32>
    %eq3A_468 = vector.broadcast %broadcast_in_dim3A_467 : vector<32x1xf32> to vector<32x512xf32>
    %eq3A_469 = arith.cmpf oeq, %select_n3A_464, %eq3A_468 : vector<32x512xf32>
    %jit3A_470 = arith.constant 1073741824 : i32
    %broadcast_in_dim3A_471 = vector.broadcast %jit3A_470 : i32 to vector<32x512xi32>
    %select_n3A_472 = arith.select %eq3A_469, %iota3A, %broadcast_in_dim3A_471 : vector<32x512xi1>, vector<32x512xi32>
    %reduce_min3A_473 = arith.constant dense<2147483647> : vector<32xi32>
    %reduce_min3A_474 = vector.multi_reduction <minsi>, %select_n3A_472, %reduce_min3A_473 [1] : vector<32x512xi32> to vector<32xi32>
    %broadcast_in_dim3A_475 = vector.shape_cast %reduce_min3A_474 : vector<32xi32> to vector<32x1xi32>
    %eq3A_476 = vector.broadcast %broadcast_in_dim3A_475 : vector<32x1xi32> to vector<32x512xi32>
    %eq3A_477 = arith.cmpi eq, %iota3A, %eq3A_476 : vector<32x512xi32>
    %jit3A_478 = arith.constant -3.000000e+30 : f32
    %broadcast_in_dim3A_479 = vector.broadcast %jit3A_478 : f32 to vector<32x512xf32>
    %select_n3A_480 = arith.select %eq3A_477, %broadcast_in_dim3A_479, %select_n3A_464 : vector<32x512xi1>, vector<32x512xf32>
    %reduce_max3A_481 = arith.constant dense<0xFF800000> : vector<32xf32>
    %reduce_max3A_482 = vector.multi_reduction <maximumf>, %select_n3A_480, %reduce_max3A_481 [1] : vector<32x512xf32> to vector<32xf32>
    %broadcast_in_dim3A_483 = vector.shape_cast %reduce_max3A_482 : vector<32xf32> to vector<32x1xf32>
    %eq3A_484 = vector.broadcast %broadcast_in_dim3A_483 : vector<32x1xf32> to vector<32x512xf32>
    %eq3A_485 = arith.cmpf oeq, %select_n3A_480, %eq3A_484 : vector<32x512xf32>
    %jit3A_486 = arith.constant 1073741824 : i32
    %broadcast_in_dim3A_487 = vector.broadcast %jit3A_486 : i32 to vector<32x512xi32>
    %select_n3A_488 = arith.select %eq3A_485, %iota3A, %broadcast_in_dim3A_487 : vector<32x512xi1>, vector<32x512xi32>
    %reduce_min3A_489 = arith.constant dense<2147483647> : vector<32xi32>
    %reduce_min3A_490 = vector.multi_reduction <minsi>, %select_n3A_488, %reduce_min3A_489 [1] : vector<32x512xi32> to vector<32xi32>
    %broadcast_in_dim3A_491 = vector.shape_cast %reduce_min3A_490 : vector<32xi32> to vector<32x1xi32>
    %eq3A_492 = vector.broadcast %broadcast_in_dim3A_491 : vector<32x1xi32> to vector<32x512xi32>
    %eq3A_493 = arith.cmpi eq, %iota3A, %eq3A_492 : vector<32x512xi32>
    %jit3A_494 = arith.constant -3.000000e+30 : f32
    %broadcast_in_dim3A_495 = vector.broadcast %jit3A_494 : f32 to vector<32x512xf32>
    %select_n3A_496 = arith.select %eq3A_493, %broadcast_in_dim3A_495, %select_n3A_480 : vector<32x512xi1>, vector<32x512xf32>
    %reduce_max3A_497 = arith.constant dense<0xFF800000> : vector<32xf32>
    %reduce_max3A_498 = vector.multi_reduction <maximumf>, %select_n3A_496, %reduce_max3A_497 [1] : vector<32x512xf32> to vector<32xf32>
    %broadcast_in_dim3A_499 = vector.shape_cast %reduce_max3A_498 : vector<32xf32> to vector<32x1xf32>
    %eq3A_500 = vector.broadcast %broadcast_in_dim3A_499 : vector<32x1xf32> to vector<32x512xf32>
    %eq3A_501 = arith.cmpf oeq, %select_n3A_496, %eq3A_500 : vector<32x512xf32>
    %jit3A_502 = arith.constant 1073741824 : i32
    %broadcast_in_dim3A_503 = vector.broadcast %jit3A_502 : i32 to vector<32x512xi32>
    %select_n3A_504 = arith.select %eq3A_501, %iota3A, %broadcast_in_dim3A_503 : vector<32x512xi1>, vector<32x512xi32>
    %reduce_min3A_505 = arith.constant dense<2147483647> : vector<32xi32>
    %reduce_min3A_506 = vector.multi_reduction <minsi>, %select_n3A_504, %reduce_min3A_505 [1] : vector<32x512xi32> to vector<32xi32>
    %broadcast_in_dim3A_507 = vector.shape_cast %reduce_min3A_506 : vector<32xi32> to vector<32x1xi32>
    %eq3A_508 = vector.broadcast %broadcast_in_dim3A_507 : vector<32x1xi32> to vector<32x512xi32>
    %eq3A_509 = arith.cmpi eq, %iota3A, %eq3A_508 : vector<32x512xi32>
    %jit3A_510 = arith.constant -3.000000e+30 : f32
    %broadcast_in_dim3A_511 = vector.broadcast %jit3A_510 : f32 to vector<32x512xf32>
    %select_n3A_512 = arith.select %eq3A_509, %broadcast_in_dim3A_511, %select_n3A_496 : vector<32x512xi1>, vector<32x512xf32>
    %reduce_max3A_513 = arith.constant dense<0xFF800000> : vector<32xf32>
    %reduce_max3A_514 = vector.multi_reduction <maximumf>, %select_n3A_512, %reduce_max3A_513 [1] : vector<32x512xf32> to vector<32xf32>
    %broadcast_in_dim3A_515 = vector.shape_cast %reduce_max3A_514 : vector<32xf32> to vector<32x1xf32>
    %eq3A_516 = vector.broadcast %broadcast_in_dim3A_515 : vector<32x1xf32> to vector<32x512xf32>
    %eq3A_517 = arith.cmpf oeq, %select_n3A_512, %eq3A_516 : vector<32x512xf32>
    %jit3A_518 = arith.constant 1073741824 : i32
    %broadcast_in_dim3A_519 = vector.broadcast %jit3A_518 : i32 to vector<32x512xi32>
    %select_n3A_520 = arith.select %eq3A_517, %iota3A, %broadcast_in_dim3A_519 : vector<32x512xi1>, vector<32x512xi32>
    %reduce_min3A_521 = arith.constant dense<2147483647> : vector<32xi32>
    %reduce_min3A_522 = vector.multi_reduction <minsi>, %select_n3A_520, %reduce_min3A_521 [1] : vector<32x512xi32> to vector<32xi32>
    %broadcast_in_dim3A_523 = vector.shape_cast %reduce_min3A_522 : vector<32xi32> to vector<32x1xi32>
    %eq3A_524 = vector.broadcast %broadcast_in_dim3A_523 : vector<32x1xi32> to vector<32x512xi32>
    %eq3A_525 = arith.cmpi eq, %iota3A, %eq3A_524 : vector<32x512xi32>
    %jit3A_526 = arith.constant -3.000000e+30 : f32
    %broadcast_in_dim3A_527 = vector.broadcast %jit3A_526 : f32 to vector<32x512xf32>
    %select_n3A_528 = arith.select %eq3A_525, %broadcast_in_dim3A_527, %select_n3A_512 : vector<32x512xi1>, vector<32x512xf32>
    %reduce_max3A_529 = arith.constant dense<0xFF800000> : vector<32xf32>
    %reduce_max3A_530 = vector.multi_reduction <maximumf>, %select_n3A_528, %reduce_max3A_529 [1] : vector<32x512xf32> to vector<32xf32>
    %broadcast_in_dim3A_531 = vector.shape_cast %reduce_max3A_530 : vector<32xf32> to vector<32x1xf32>
    %eq3A_532 = vector.broadcast %broadcast_in_dim3A_531 : vector<32x1xf32> to vector<32x512xf32>
    %eq3A_533 = arith.cmpf oeq, %select_n3A_528, %eq3A_532 : vector<32x512xf32>
    %jit3A_534 = arith.constant 1073741824 : i32
    %broadcast_in_dim3A_535 = vector.broadcast %jit3A_534 : i32 to vector<32x512xi32>
    %select_n3A_536 = arith.select %eq3A_533, %iota3A, %broadcast_in_dim3A_535 : vector<32x512xi1>, vector<32x512xi32>
    %reduce_min3A_537 = arith.constant dense<2147483647> : vector<32xi32>
    %reduce_min3A_538 = vector.multi_reduction <minsi>, %select_n3A_536, %reduce_min3A_537 [1] : vector<32x512xi32> to vector<32xi32>
    %broadcast_in_dim3A_539 = vector.shape_cast %reduce_min3A_538 : vector<32xi32> to vector<32x1xi32>
    %concatenate3A = tpu.concatenate %broadcast_in_dim3A_420, %broadcast_in_dim3A_435, %broadcast_in_dim3A_451, %broadcast_in_dim3A_467, %broadcast_in_dim3A_483, %broadcast_in_dim3A_499, %broadcast_in_dim3A_515, %broadcast_in_dim3A_531 in 1 : vector<32x1xf32>, vector<32x1xf32>, vector<32x1xf32>, vector<32x1xf32>, vector<32x1xf32>, vector<32x1xf32>, vector<32x1xf32>, vector<32x1xf32> -> vector<32x8xf32>
    %concatenate3A_540 = tpu.concatenate %broadcast_in_dim3A_427, %broadcast_in_dim3A_443, %broadcast_in_dim3A_459, %broadcast_in_dim3A_475, %broadcast_in_dim3A_491, %broadcast_in_dim3A_507, %broadcast_in_dim3A_523, %broadcast_in_dim3A_539 in 1 : vector<32x1xi32>, vector<32x1xi32>, vector<32x1xi32>, vector<32x1xi32>, vector<32x1xi32>, vector<32x1xi32>, vector<32x1xi32>, vector<32x1xi32> -> vector<32x8xi32>
    %slice3A = vector.extract_strided_slice %concatenate3A {offsets = [0, 0], sizes = [32, 1], strides = [1, 1]} : vector<32x8xf32> to vector<32x1xf32>
    %sub3A_541 = vector.broadcast %slice3A : vector<32x1xf32> to vector<32x8xf32>
    %sub3A_542 = arith.subf %concatenate3A, %sub3A_541 : vector<32x8xf32>
    %exp3A = math.exp %sub3A_542 : vector<32x8xf32>
    %reduce_sum3A = arith.constant dense<0.000000e+00> : vector<32xf32>
    %reduce_sum3A_543 = vector.multi_reduction <add>, %exp3A, %reduce_sum3A [1] : vector<32x8xf32> to vector<32xf32>
    %broadcast_in_dim3A_544 = vector.shape_cast %reduce_sum3A_543 : vector<32xf32> to vector<32x1xf32>
    %div3A_545 = vector.broadcast %broadcast_in_dim3A_544 : vector<32x1xf32> to vector<32x8xf32>
    %div3A_546 = arith.divf %exp3A, %div3A_545 : vector<32x8xf32>
    %swap3A = arith.constant 0 : index
    %swap3A_547 = arith.constant 0 : index
    %swap3A_548 = vector.load %arg6[%swap3A, %swap3A_547] : memref<32x128xf32, #tpu.memory_space<vmem>>, vector<32x128xf32>
    tpu.vector_store %arg6[%swap3A, %swap3A_547], %dot_general3A_10 {strides = array<i32>} : memref<32x128xf32, #tpu.memory_space<vmem>>, vector<32x128xf32>,
    %swap3A_549 = arith.constant 0 : index
    %swap3A_550 = arith.constant 0 : index
    %swap3A_551 = vector.load %arg7[%swap3A_549, %swap3A_550] : memref<32x8xf32, #tpu.memory_space<vmem>>, vector<32x8xf32>
    tpu.vector_store %arg7[%swap3A_549, %swap3A_550], %div3A_546 {strides = array<i32>} : memref<32x8xf32, #tpu.memory_space<vmem>>, vector<32x8xf32>,
    %swap3A_552 = arith.constant 0 : index
    %swap3A_553 = arith.constant 0 : index
    %swap3A_554 = vector.load %arg8[%swap3A_552, %swap3A_553] : memref<32x8xi32, #tpu.memory_space<vmem>>, vector<32x8xi32>
    tpu.vector_store %arg8[%swap3A_552, %swap3A_553], %concatenate3A_540 {strides = array<i32>} : memref<32x8xi32, #tpu.memory_space<vmem>>, vector<32x8xi32>,
    %broadcast_in_dim3A_555 = arith.constant 0 : i32
    %broadcast_in_dim3A_556 = vector.broadcast %broadcast_in_dim3A_555 : i32 to vector<32x120xi32>
    %concatenate3A_557 = tpu.concatenate %concatenate3A_540, %broadcast_in_dim3A_556 in 1 : vector<32x8xi32>, vector<32x120xi32> -> vector<32x128xi32>
    %swap3A_558 = arith.constant 0 : index
    %swap3A_559 = arith.constant 0 : index
    %swap3A_560 = vector.load %arg9[%swap3A_558, %swap3A_559] : memref<32x128xi32, #tpu.memory_space<vmem>>, vector<32x128xi32>
    tpu.vector_store %arg9[%swap3A_558, %swap3A_559], %concatenate3A_557 {strides = array<i32>} : memref<32x128xi32, #tpu.memory_space<vmem>>, vector<32x128xi32>,
    return
  }
}

module attributes {stable_mosaic.version = 14 : i64} {
  func.func @_weight_body(%arg0: memref<256x512xf32, #tpu.memory_space<vmem>>, %arg1: memref<256x1xf32, #tpu.memory_space<vmem>>, %arg2: memref<256x512xf32, #tpu.memory_space<vmem>>) attributes {dimension_semantics = [], scalar_prefetch = 0 : i64, scratch_operands = 0 : i64, tpu.core_type = #tpu.core_type<tc>} {
    %get3A = arith.constant 0 : index
    %get3A_0 = arith.constant 0 : index
    %get3A_1 = vector.load %arg0[%get3A, %get3A_0] : memref<256x512xf32, #tpu.memory_space<vmem>>, vector<256x512xf32>
    %bitcast_convert_type3A = tpu.bitcast %get3A_1 : vector<256x512xf32> -> vector<256x512xi32>
    %shift_right_arithmetic3A = arith.constant 31 : i32
    %shift_right_arithmetic3A_2 = vector.broadcast %shift_right_arithmetic3A : i32 to vector<256x512xi32>
    %shift_right_arithmetic3A_3 = arith.shrsi %bitcast_convert_type3A, %shift_right_arithmetic3A_2 : vector<256x512xi32>
    %and3A = arith.constant 2147483647 : i32
    %and3A_4 = vector.broadcast %and3A : i32 to vector<256x512xi32>
    %and3A_5 = arith.andi %shift_right_arithmetic3A_3, %and3A_4 : vector<256x512xi32>
    %xor3A = arith.xori %bitcast_convert_type3A, %and3A_5 : vector<256x512xi32>
    %broadcast_in_dim3A = arith.constant -2147483648 : i32
    %broadcast_in_dim3A_6 = vector.broadcast %broadcast_in_dim3A : i32 to vector<256x1xi32>
    %broadcast_in_dim3A_7 = arith.constant 2147483647 : i32
    %broadcast_in_dim3A_8 = vector.broadcast %broadcast_in_dim3A_7 : i32 to vector<256x1xi32>
    %scan3A = arith.constant 0 : i32
    %scan3A_9 = arith.constant 32 : i32
    %scan3A_10 = arith.addi %scan3A, %scan3A_9 : i32
    %scan3A_11 = arith.constant 1 : i32
    %scan3A_12:2 = scf.for %scan3A_26 = %scan3A to %scan3A_10 step %scan3A_11 iter_args(%scan3A_27 = %broadcast_in_dim3A_6, %scan3A_28 = %broadcast_in_dim3A_8) -> (vector<256x1xi32>, vector<256x1xi32>)  : i32 {
      %sub3A_29 = arith.subi %scan3A_28, %scan3A_27 : vector<256x1xi32>
      %shift_right_logical3A = arith.constant 1 : i32
      %shift_right_logical3A_30 = vector.broadcast %shift_right_logical3A : i32 to vector<256x1xi32>
      %shift_right_logical3A_31 = arith.shrui %sub3A_29, %shift_right_logical3A_30 : vector<256x1xi32>
      %and3A_32 = arith.constant 1 : i32
      %and3A_33 = vector.broadcast %and3A_32 : i32 to vector<256x1xi32>
      %and3A_34 = arith.andi %sub3A_29, %and3A_33 : vector<256x1xi32>
      %add3A = arith.addi %shift_right_logical3A_31, %and3A_34 : vector<256x1xi32>
      %add3A_35 = arith.addi %scan3A_27, %add3A : vector<256x1xi32>
      %ge3A_36 = vector.broadcast %add3A_35 : vector<256x1xi32> to vector<256x512xi32>
      %ge3A_37 = arith.cmpi sge, %xor3A, %ge3A_36 : vector<256x512xi32>
      %convert_element_type3A = arith.extui %ge3A_37 : vector<256x512xi1> to vector<256x512xi32>
      %reduce_sum3A_38 = arith.constant dense<0> : vector<256xi32>
      %reduce_sum3A_39 = vector.multi_reduction <add>, %convert_element_type3A, %reduce_sum3A_38 [1] : vector<256x512xi32> to vector<256xi32>
      %broadcast_in_dim3A_40 = vector.shape_cast %reduce_sum3A_39 : vector<256xi32> to vector<256x1xi32>
      %ge3A_41 = arith.constant 64 : i32
      %ge3A_42 = vector.broadcast %ge3A_41 : i32 to vector<256x1xi32>
      %ge3A_43 = arith.cmpi sge, %broadcast_in_dim3A_40, %ge3A_42 : vector<256x1xi32>
      %select_n3A_44 = arith.select %ge3A_43, %add3A_35, %scan3A_27 : vector<256x1xi1>, vector<256x1xi32>
      %sub3A_45 = arith.constant 1 : i32
      %sub3A_46 = vector.broadcast %sub3A_45 : i32 to vector<256x1xi32>
      %sub3A_47 = arith.subi %add3A_35, %sub3A_46 : vector<256x1xi32>
      %select_n3A_48 = arith.select %ge3A_43, %scan3A_28, %sub3A_47 : vector<256x1xi1>, vector<256x1xi32>
      scf.yield %select_n3A_44, %select_n3A_48 : vector<256x1xi32>, vector<256x1xi32>
    }
    %ge3A = vector.broadcast %scan3A_12#0 : vector<256x1xi32> to vector<256x512xi32>
    %ge3A_13 = arith.cmpi sge, %xor3A, %ge3A : vector<256x512xi32>
    %reduce_max3A = arith.constant dense<0xFF800000> : vector<256xf32>
    %reduce_max3A_14 = vector.multi_reduction <maximumf>, %get3A_1, %reduce_max3A [1] : vector<256x512xf32> to vector<256xf32>
    %broadcast_in_dim3A_15 = vector.shape_cast %reduce_max3A_14 : vector<256xf32> to vector<256x1xf32>
    %sub3A = vector.broadcast %broadcast_in_dim3A_15 : vector<256x1xf32> to vector<256x512xf32>
    %sub3A_16 = arith.subf %get3A_1, %sub3A : vector<256x512xf32>
    %exp3A = math.exp %sub3A_16 : vector<256x512xf32>
    %jit3A = arith.constant 0.000000e+00 : f32
    %broadcast_in_dim3A_17 = vector.broadcast %jit3A : f32 to vector<256x512xf32>
    %select_n3A = arith.select %ge3A_13, %exp3A, %broadcast_in_dim3A_17 : vector<256x512xi1>, vector<256x512xf32>
    %reduce_sum3A = arith.constant dense<0.000000e+00> : vector<256xf32>
    %reduce_sum3A_18 = vector.multi_reduction <add>, %select_n3A, %reduce_sum3A [1] : vector<256x512xf32> to vector<256xf32>
    %broadcast_in_dim3A_19 = vector.shape_cast %reduce_sum3A_18 : vector<256xf32> to vector<256x1xf32>
    %get3A_20 = arith.constant 0 : index
    %get3A_21 = arith.constant 0 : index
    %get3A_22 = vector.load %arg1[%get3A_20, %get3A_21] : memref<256x1xf32, #tpu.memory_space<vmem>>, vector<256x1xf32>
    %div3A = arith.divf %get3A_22, %broadcast_in_dim3A_19 : vector<256x1xf32>
    %mul3A = vector.broadcast %div3A : vector<256x1xf32> to vector<256x512xf32>
    %mul3A_23 = arith.mulf %select_n3A, %mul3A : vector<256x512xf32>
    %swap3A = arith.constant 0 : index
    %swap3A_24 = arith.constant 0 : index
    %swap3A_25 = vector.load %arg2[%swap3A, %swap3A_24] : memref<256x512xf32, #tpu.memory_space<vmem>>, vector<256x512xf32>
    tpu.vector_store %arg2[%swap3A, %swap3A_24], %mul3A_23 {strides = array<i32>} : memref<256x512xf32, #tpu.memory_space<vmem>>, vector<256x512xf32>,
    return
  }
}

module attributes {stable_mosaic.version = 14 : i64} {
  func.func @_fin_body(%arg0: memref<32x128xf32, #tpu.memory_space<vmem>>, %arg1: memref<128x128xf32, #tpu.memory_space<vmem>>, %arg2: memref<128x128xf32, #tpu.memory_space<vmem>>, %arg3: memref<32x128xf32, #tpu.memory_space<vmem>>) attributes {dimension_semantics = [], scalar_prefetch = 0 : i64, scratch_operands = 0 : i64, tpu.core_type = #tpu.core_type<tc>} {
    %get3A = arith.constant 0 : index
    %get3A_0 = arith.constant 0 : index
    %get3A_1 = vector.load %arg0[%get3A, %get3A_0] : memref<32x128xf32, #tpu.memory_space<vmem>>, vector<32x128xf32>
    %get3A_2 = arith.constant 0 : index
    %get3A_3 = arith.constant 0 : index
    %get3A_4 = vector.load %arg1[%get3A_2, %get3A_3] : memref<128x128xf32, #tpu.memory_space<vmem>>, vector<128x128xf32>
    %dot_general3A = arith.constant dense<0.000000e+00> : vector<32x128xf32>
    %dot_general3A_5 = tpu.matmul %get3A_1, %get3A_4, %dot_general3A {dimension_numbers = #tpu.dot_dimension_numbers<[1], [0], [0], [1], [0, 0, 1, 1], [], []>, precision = #tpu.contract_precision<fp32>, transpose_lhs_hint = false} : vector<32x128xf32>, vector<128x128xf32>, vector<32x128xf32> -> vector<32x128xf32>
    %get3A_6 = arith.constant 0 : index
    %get3A_7 = arith.constant 0 : index
    %get3A_8 = vector.load %arg2[%get3A_6, %get3A_7] : memref<128x128xf32, #tpu.memory_space<vmem>>, vector<128x128xf32>
    %dot_general3A_9 = arith.constant dense<0.000000e+00> : vector<32x128xf32>
    %dot_general3A_10 = tpu.matmul %dot_general3A_5, %get3A_8, %dot_general3A_9 {dimension_numbers = #tpu.dot_dimension_numbers<[1], [0], [0], [1], [0, 0, 1, 1], [], []>, precision = #tpu.contract_precision<fp32>, transpose_lhs_hint = false} : vector<32x128xf32>, vector<128x128xf32>, vector<32x128xf32> -> vector<32x128xf32>
    %swap3A = arith.constant 0 : index
    %swap3A_11 = arith.constant 0 : index
    %swap3A_12 = vector.load %arg3[%swap3A, %swap3A_11] : memref<32x128xf32, #tpu.memory_space<vmem>>, vector<32x128xf32>
    tpu.vector_store %arg3[%swap3A, %swap3A_11], %dot_general3A_10 {strides = array<i32>} : memref<32x128xf32, #tpu.memory_space<vmem>>, vector<32x128xf32>,
    return
  }
}

</mosaic_0001>

<sc_bundles>
// kernel: kernel.7.cloned.1.call-start
scs
__scs_entry_jumppad:
0x0: {  	(pc) =	sbr.rel $0x88, $3  }
0x1: {  	(tag) =	ssettag $0x0;
	lr =	simm.s32 $0x1  }
0x2: {  	[smem:$0x3F96] =	sst lr;
	_ =	strace $0xD0000000  }
0x3: {  	_ = 	snop  }
0x4: {  	_ = 	snop  }
0x5: {  	_ = 	snop  }
0x6: {  	_ = 	snop  }
0x7: {  	_ = 	snop  }
__scs_overlays_trampoline_lowered:
0x8: {  	[smem:$0x3FA5] =	sst s0  }
0x9: {  	[smem:$0x3FA6] =	sst s1  }
0xa: {  	[smem:$0x3FA7] =	sst s2  }
0xb: {  	[smem:$0x3FA8] =	sst s3  }
0xc: {  	[smem:$0x3FA9] =	sst s4  }
0xd: {  	[smem:$0x3FAA] =	sst s5  }
0xe: {  	[smem:$0x3FAB] =	sst s6  }
0xf: {  	[smem:$0x3FAC] =	sst s7  }
0x10: {  	[smem:$0x3FAD] =	sst s8  }
0x11: {  	[smem:$0x3FAE] =	sst s9;
	s0 =	simm.s32 @!p0 $0x0  }
0x12: {  	s1 =	sld [smem:$0x3F94];
	s0 =	simm.s32 @p0 $0x1  }
0x13: {  	[smem:$0x3FAF] =	sst s0;
	s0 =	simm.s32 @!p1 $0x0  }
0x14: {  	s2 =	sld [smem:$0x3F93];
	s0 =	simm.s32 @p1 $0x1  }
0x15: {  	[smem:$0x3FB0] =	sst s0;
	s0 =	simm.s32 @!p2 $0x0  }
0x16: {  	s3 =	sld [smem:$0x3FDB];
	s0 =	simm.s32 @p2 $0x1  }
0x17: {  	s4 =	simm.s32 $0x1BF5;
	[smem:$0x3FB2] =	sst s0  }
0x18: {  	s0 =	sld [smem:$0x3F95];
	_ =	swait.ge [sflag:s4], $0x0  }
0x19: {  	s7 =	sld [smem:$0x3F96]  }
0x1a: {  	s8 =	sadd.s32 $0xFFFFE003, lr  }
0x1b: {  	s9 =	sadd.s32 $0xFFFFFEF7, lr;
	s5 =	simm.s32 $0xFFFFFFFF;
	p2 =	slt.u32 s8, $0xFFFFF086  }
0x1c: {  	p1 =	slt.u32 s9, $0xF7A;
	s5 =	simm.s32 @!p2 $0x0  }
0x1d: {  	s5 =	simm.s32 @p1 $0x1;
	p0 =	seq.s32 s7, s2  }
0x1e: {  	s7 =	smul.u32 @!p0 $0xF7A, s2;
	p2 =	seq.s32 @!p0 s5, $0x0  }
0x1f: {  	s9 =	smul.u32 $0xF7A, s1;
	s8 =	simm.s32 @!p0 $0x1BF5;
	p2 =	por !p2, p0  }
0x20: {  	[sflag:s8] =	ssyncset.s32 @!p0 $0xFFFFF086;
	s6 =	sadd.s32 @!p0 s3, s7;
	s7 =	simm.s32 @!p0 $0x108  }
0x21: {  	s3 =	sadd.s32 s3, s9;
	s6 =	sadd.s32 @!p0 $0x88, s6;
	s7 =	simm.s32 @p2 $0x1082  }
0x22: {  	[simem:s7], [sflag:s8] =	dma.local @!p0 [hbm:s6], $0xF7A  }
0x23: {  	s9 =	sor.u32 $0xD0000000, s2;
	s6 =	simm.s32 $0x108;
	_ =	swait.ge @!p0 [sflag:s8], $0x0  }
0x24: {  	s3 =	sadd.s32 $0x88, s3;
	s6 =	simm.s32 @!p1 $0x1082;
	[sflag:s4] =	ssyncset.s32 $0xFFFFF086  }
0x25: {  	[simem:s6], [sflag:s4] =	dma.local [hbm:s3], $0xF7A  }
0x26: {  	[smem:$0x3F96] =	sst s1;
	(tag) =	ssettag s2;
	_ =	strace s9  }
0x27: {  	s1 =	sld [smem:$0x3FA6]  }
0x28: {  	s2 =	sld [smem:$0x3FA7]  }
0x29: {  	s4 =	sld [smem:$0x3FA9]  }
0x2a: {  	p0 =	seq.s32 s5, $0x0;
	s5 =	sld [smem:$0x3FAA]  }
0x2b: {  	s6 =	sld [smem:$0x3FAB]  }
0x2c: {  	s7 =	sld [smem:$0x3FAC]  }
0x2d: {  	s3 =	simm.s32 $0x108;
	s8 =	sld [smem:$0x3FAD]  }
0x2e: {  	s3 =	simm.s32 @!p0 $0x1082;
	s9 =	sld [smem:$0x3FAE]  }
0x2f: {  	lr =	sadd.s32 s0, s3;
	s0 =	sld [smem:$0x3FA5]  }
0x30: {  	s3 =	sld [smem:$0x3FA8]  }
0x31: {  	[smem:$0x3FB1] =	sst s10  }
0x32: {  	s10 =	sld [smem:$0x3FAF];
	_ =	sdelay $0x3  }
0x33: {  	p0 =	seq.s32 s10, $0x1;
	s10 =	sld [smem:$0x3FB1];
	_ =	sdelay $0x3  }
0x34: {  	[smem:$0x3FB1] =	sst s10  }
0x35: {  	s10 =	sld [smem:$0x3FB0];
	_ =	sdelay $0x3  }
0x36: {  	p1 =	seq.s32 s10, $0x1;
	s10 =	sld [smem:$0x3FB1];
	_ =	sdelay $0x3  }
0x37: {  	[smem:$0x3FB1] =	sst s10  }
0x38: {  	s10 =	sld [smem:$0x3FB2]  }
0x39: {  	_ = 	snop;
	(pc) =	sbr.ind lr, $3  }
0x3a: {  	_ = 	snop  }
0x3b: {  	_ = 	snop  }
0x3c: {  	p2 =	seq.s32 s10, $0x1;
	s10 =	sld [smem:$0x3FB1]  }
0x3d: {  	_ =	shalt  }
0x3e: {  	_ =	shalt  }
0x3f: {  	_ =	shalt  }
0x40: {  	_ =	shalt  }
0x41: {  	_ =	shalt  }
0x42: {  	_ =	shalt  }
0x43: {  	_ =	shalt  }
0x44: {  	_ =	shalt  }
0x45: {  	_ =	shalt  }
0x46: {  	_ =	shalt  }
0x47: {  	_ =	shalt  }
0x48: {  	_ =	shalt  }
0x49: {  	_ =	shalt  }
0x4a: {  	_ =	shalt  }
0x4b: {  	_ =	shalt  }
0x4c: {  	_ =	shalt  }
0x4d: {  	_ =	shalt  }
0x4e: {  	_ =	shalt  }
0x4f: {  	_ =	shalt  }
0x50: {  	_ =	shalt  }
0x51: {  	_ =	shalt  }
0x52: {  	_ =	shalt  }
0x53: {  	_ =	shalt  }
0x54: {  	_ =	shalt  }
0x55: {  	_ =	shalt  }
0x56: {  	_ =	shalt  }
0x57: {  	_ =	shalt  }
0x58: {  	_ =	shalt  }
0x59: {  	_ =	shalt  }
0x5a: {  	_ =	shalt  }
0x5b: {  	_ =	shalt  }
0x5c: {  	_ =	shalt  }
0x5d: {  	_ =	shalt  }
0x5e: {  	_ =	shalt  }
0x5f: {  	_ =	shalt  }
0x60: {  	_ =	shalt  }
0x61: {  	_ =	shalt  }
0x62: {  	_ =	shalt  }
0x63: {  	_ =	shalt  }
0x64: {  	_ =	shalt  }
0x65: {  	_ =	shalt  }
0x66: {  	_ =	shalt  }
0x67: {  	_ =	shalt  }
0x68: {  	_ =	shalt  }
0x69: {  	_ =	shalt  }
0x6a: {  	_ =	shalt  }
0x6b: {  	_ =	shalt  }
0x6c: {  	_ =	shalt  }
0x6d: {  	_ =	shalt  }
0x6e: {  	_ =	shalt  }
0x6f: {  	_ =	shalt  }
0x70: {  	_ =	shalt  }
0x71: {  	_ =	shalt  }
0x72: {  	_ =	shalt  }
0x73: {  	_ =	shalt  }
0x74: {  	_ =	shalt  }
0x75: {  	_ =	shalt  }
0x76: {  	_ =	shalt  }
0x77: {  	_ =	shalt  }
0x78: {  	_ =	shalt  }
0x79: {  	_ =	shalt  }
0x7a: {  	_ =	shalt  }
0x7b: {  	_ =	shalt  }
0x7c: {  	_ =	shalt  }
0x7d: {  	_ =	shalt  }
0x7e: {  	_ =	shalt  }
0x7f: {  	_ =	shalt  }
0x80: {  	_ =	shalt  }
0x81: {  	_ =	shalt  }
0x82: {  	_ =	shalt  }
0x83: {  	_ =	shalt  }
0x84: {  	_ =	shalt  }
0x85: {  	_ =	shalt  }
0x86: {  	_ =	shalt  }
0x87: {  	_ =	shalt  }
.Lfunc_end0:
.L_simem_size_0:
called_computation_lowered:
.L_overlay_start_0:
0x88: {  	s2 =	sld [smem:$0x3FD9]  }
0x89: {  	s3 =	sld [smem:$0x3FFE];
	_ =	sdelay $0x1  }
0x8a: {  	s1 =	srdreg.scid  }
0x8b: {  	s0 =	sand.u32 $0x1, s1  }
0x8c: {  	s17 =	sshll.u32 s0, $0xA;
	s2 =	sadd.s32 s3, s2  }
0x8d: {  	s2 =	sadd.s32 s2, s17  }
0x8e: {  	[smem:$0x3FBD] =	sst s2  }
0x8f: {  	_ = 	snop  }
0x90: {  	s2 =	sld [smem:$0x3FC6]  }
0x91: {  	s18 =	sld [smem:$0x3FD0];
	(tm) =	ssettm $0x1  }
0x92: {  	s4 =	sld [smem:$0x3FFB];
	_ =	sdelay $0x3  }
0x93: {  	_ =	strace s4  }
0x94: {  	s4 =	sld [smem:$0x3FFC];
	_ =	sdelay $0x3  }
0x95: {  	_ =	strace s4  }
0x96: {  	s4 =	sld [smem:$0x3FFD];
	_ =	sdelay $0x3  }
0x97: {  	_ =	strace s4  }
0x98: {  	_ =	strace $0x8FFFFFFF  }
0x99: {  	s19 =	sld [smem:$0x3FDB];
	_ =	sdelay $0x1  }
0x9a: {  	s5 =	simm.s32 $_scs_section_size  }
0x9b: {  	s6 =	simm.s32 $_size__tile_overlayer_lowered;
	s7 =	simm.s32 $_tile_overlayer_lowered  }
0x9c: {  	s22 =	simm.s32 $0x1BFF;
	s21 =	sshll.u32 s7, $0x1;
	s4 =	sadd.s32 s5, s19  }
0x9d: {  	s8 =	simm.s32 $0x0;
	s20 =	sshll.u32 s6, $0x1;
	s6 =	sadd.s32 s21, s4  }
0x9e: {  	[timem:s8], [sflag:s22] =	dma.local [hbm:s6], s20  }
0x9f: {  	_ =	swait.ge [sflag:s22], s20  }
0xa0: {  	s5 =	ssub.s32 $0x0, s20;
	[sflag:s22] =	ssyncset.done $0x0  }
0xa1: {  	[sflag:s22] =	ssyncadd.s32 s5;
	_ =	sdelay $0x1  }
0xa2: {  	s23 =	simm.s32 $0x1B8B  }
0xa3: {  	_ =	swait.ge [sflag:s23], $0x1  }
0xa4: {  	[sflag:s23] =	ssyncset.done $0x0  }
0xa5: {  	s25 =	simm.s32 $0x1B8E;
	s24 =	sld [smem:$0x3FFE];
	[sflag:s23] =	ssyncadd.s32 $0xFFFFFFFF  }
0xa6: {  	s26 =	simm.s32 $execute0_lowered;
	[smem:$0x3FD2] =	sst s25  }
0xa7: {  	s6 =	sshll.u32 s26, $0x1;
	_ =	strace $0x80000046;
	[dreg:$0x1] =	wrdreg $0xFFFFFFFF  }
0xa8: {  	s28 =	simm.s32 $_size_execute0_lowered;
	s4 =	sadd.s32 s4, s6;
	[dreg:$0x0] =	wrdreg $0x0  }
0xa9: {  	s6 =	sshll.u32 s28, $0x1;
	[dreg:$0x2] =	wrdreg s4  }
0xaa: {  	[dreg:$0x3] =	wrdreg s6  }
0xab: {  	[dreg:$0x4] =	wrdreg $0xC0  }
0xac: {  	_ =	task [dreg:s8], $0x5FFFF  }
0xad: {  	[dreg:$0x1] =	wrdreg $0xFFFFFFFF  }
0xae: {  	[dreg:$0x0] =	wrdreg $0x60  }
0xaf: {  	[dreg:$0x2] =	wrdreg s24  }
0xb0: {  	[dreg:$0x3] =	wrdreg s2  }
0xb1: {  	[dreg:$0x4] =	wrdreg s18  }
0xb2: {  	[dreg:$0x5] =	wrdreg $0x9  }
0xb3: {  	_ =	task.clear_ibuf [dreg:s8], $0x6FFFF;
	_ =	strace $0x90000046  }
0xb4: {  	s29 =	simm.s32 $0x9;
	_ =	strace $0x80000048  }
0xb5: {  	_ =	swait.ge [sflag:s29], $0x1  }
0xb6: {  	[sflag:s29] =	ssyncadd.s32 $0xFFFFFFFF  }
0xb7: {  	_ =	strace $0x90000048  }
0xb8: {  	_ =	sfence  }
0xb9: {  	s30 =	sld [smem:$0x0];
	_ =	sdelay $0x2  }
0xba: {  	s31 =	sshll.u32 s1, $0xD;
	s1 =	sshrl.u32 s1, $0x2  }
0xbb: {  	s3 =	sand.u32 $0x4000, s31;
	s1 =	sadd.s32 s1, s30  }
0xbc: {  	s0 =	sor.u32 s3, s0;
	s1 =	sshll.u32 s1, $0x11  }
0xbd: {  	s0 =	sor.u32 s1, s0  }
0xbe: {  	s0 =	sadd.s32 $0x8F2B, s0  }
0xbf: {  	[sflag:s0] =	ssyncadd.remote.s32 $0x1  }
0xc0: {  	_ =	sfence.sel $0xFFFF  }
0xc1: {  	[dreg:$0x0] =	wrdreg $0xFFFFFFFF;
	(pc) =	sbr.abs _section_cstart, $3  }
0xc2: {  	[dreg:$0x1] =	wrdreg $0xFFFFFFFF  }
0xc3: {  	_ =	task.clear_ibuf [dreg:s8], $0x2FFFF;
	_ =	strace $0x9FFFFFFF  }
0xc4: {  	(tm) =	ssettm $0x7FFFFFFF  }
0xc5: {  	_ =	shalt  }
tec
execute0_lowered:
.L_overlay_start_1:
0x0: {  	(tag) =	ssettag $0x1  }
0x1: {  	s4 =	rddreg [dreg:$0x0]  }
0x2: {  	s2 =	rddreg [dreg:$0x1]  }
0x3: {  	s5 =	rddreg [dreg:$0x2]  }
0x4: {  	s0 =	rddreg [dreg:$0x3];
	s6 =	srdreg.scid  }
0x5: {  	s1 =	stileid.u32;
	s3 =	simm.s32 $0x0;
	s11 =	simm.s32 $0x300  }
0x6: {  	s12 =	simm.s32 $0x40;
	s13 =	simm.s32 $0x380;
	s14 =	simm.s32 $0x1  }
0x7: {  	s15 =	simm.s32 $0x2380;
	s6 =	sand.u32 $0x1, s6;
	s7 =	sshll.u32 s1, $0x1  }
0x8: {  	s16 =	simm.s32 $0x0;
	[smem:$0x7FF] =	sst s3;
	s7 =	sor.u32 s6, s7  }
0x9: {  	_ =	strace $0x80000047;
	s6 =	ssub.s32 $0x2, s6;
	s8 =	sshll.u32 s7, $0x9  }
0xa: {  	s7 =	sshll.u32 s7, $0x4;
	s9 =	sshrl.u32 s6, $0x1;
	s8 =	sadd.s32 s8, s4  }
0xb: {  	s10 =	sadd.s32 s7, s4;
	s9 =	ssub.s32 s6, s9;
	s4 =	sadd.s32 s5, s7  }
0xc: {  	s5 =	sadd.s32 $0x2000, s8;
	s6 =	sadd.s32 $0x6000, s10;
	s7 =	smax.u32 s9, $0x1  }
0xd: {  	v0 =	vimm.f32 $0.0e+00;
	v1 =	vlaneseq.u32;
	v2 =	vimm.s32 $0x0;
	s8 =	simm.s32 $0x2;
	s9 =	simm.s32 $0x400;
	s10 =	simm.s32 $0x280  }
.LBB2_1:
0xe: {  	[tilespmem:s3], [sflag:$0x2] =	stream.linear.gather [hbm4b:s4+s3], $0x80, $0x38;
	[tilespmem:$0x2400] =	vst v63  }
0xf: {  	v3 =	vimm.f32 $0.0e+00;
	v4 =	vimm.f32 $0.0e+00;
	_ =	swait.ge [sflag:s8], $0x80  }
0x10: {  	v5 =	vimm.f32 $0.0e+00;
	v6 =	vimm.f32 $0.0e+00;
	v7 =	vimm.f32 $0.0e+00;
	[sflag:s8] =	ssyncset.done $0x0  }
0x11: {  	v8 =	vimm.f32 $0.0e+00;
	v9 =	vimm.f32 $0.0e+00;
	v10 =	vimm.f32 $0.0e+00;
	s17 =	simm.s32 $0x0;
	[sflag:s8] =	ssyncadd.s32 $0xFFFFFF80  }
.LBB2_2:
0x12: {  	v11 =	vmov s17;
	_ =	sdelay $0x2  }
0x13: {  	s19 =	sshll.u32 s17, $0x4  }
0x14: {  	s18 =	simm.s32 $0x0;
	s20 =	sadd.s32 s19, s5;
	s19 =	simm.s32 $0x80  }
0x15: {  	v11 =	vld.idx.msk [tilespmem:v11+s18+$0x0], $0xffff;
	[tilespmem:s19], [sflag:$0x2] =	stream.strided.gather [hbm4b:s20+s19], $0x200, s9, s19, $0x38  }
0x16: {  	_ =	swait.ge [sflag:s8], $0x200  }
0x17: {  	[sflag:s8] =	ssyncset.done $0x0  }
0x18: {  	[sflag:s8] =	ssyncadd.s32 $0xFFFFFE00  }
0x19: {  	v12 =	vimm.s32 $0x0;
	[tilespmem:$0x300] =	vst v0  }
0x1a: {  	[tilespmem:$0x280] =	vst v12  }
0x1b: {  	[tilespmem:$0x310] =	vst v0  }
0x1c: {  	[tilespmem:$0x290] =	vst v12  }
0x1d: {  	[tilespmem:$0x320] =	vst v0  }
0x1e: {  	[tilespmem:$0x2A0] =	vst v12  }
0x1f: {  	[tilespmem:$0x330] =	vst v0  }
0x20: {  	[tilespmem:$0x2B0] =	vst v12  }
0x21: {  	v11 =	vshll.u32 v11, $0x9;
	v13 =	vld [tilespmem:s19+$0x0]  }
0x22: {  	v14 =	vimm.s32 $0x0;
	s20 =	simm.s32 $0x10;
	v11 =	vor.u32 v1, v11  }
.LBB2_3:
0x23: {  	p0 =	sne.s32 s20, $0x1F0;
	_ =	sdelay $0x2  }
0x24: {  	vm0 =	vgt.f32 v13, $0.0e+00  }
0x25: {  	v15 =	vsel vm0, $0x1, v2;
	v16 =	vmpcnt.ones.xlane vm0  }
0x26: {  	(xrf0) =	vadd.scan.msk.s32 $0xffff, v15  }
0x27: {  	v12 =	vadd.s32 v12, v16;
	_ =	sdelay $0x4  }
0x28: {  	v15, _, _ =	vpop (xrf0)  }
0x29: {  	v15 =	vadd.s32 v15, v14;
	v14 =	vmov v12  }
0x2a: {  	v15 =	vadd.s32 $0xFFFFFFFF, v15  }
0x2b: {  	vm1 =	vlt.s32 v15, $0x40  }
0x2c: {  	vm0 =	vmand vm0, vm1;
	_ =	sdelay $0x4  }
.Ltmp0:
0x2d: {  	v16 =	vadd.s32 s18, v11;
	s18 =	smov.u32 s20;
	(pc) =	sbr.rel @p0 .LBB2_3-.Ltmp0, $4  }
0x2e: {  	[tilespmem:v15+s10+$0x0] =	vst.idx.msk vm0, v16  }
0x2f: {  	s19 =	sadd.s32 $0x10, s19;
	[tilespmem:v15+s11+$0x0] =	vst.idx.msk vm0, v13  }
0x30: {  	v13 =	vld [tilespmem:s19+$0x0]  }
0x31: {  	s20 =	sadd.s32 $0x10, s20  }
0x32: {  	_ =	sdelay $0x2  }
0x33: {  	vm0 =	vgt.f32 v13, $0.0e+00  }
0x34: {  	v12 =	vsel vm0, $0x1, v2  }
0x35: {  	(xrf0) =	vadd.scan.msk.s32 $0xffff, v12;
	_ =	sdelay $0x5  }
0x36: {  	v12, _, _ =	vpop (xrf0)  }
0x37: {  	v12 =	vadd.s32 v12, v14  }
0x38: {  	v12 =	vadd.s32 $0xFFFFFFFF, v12  }
0x39: {  	vm1 =	vlt.s32 v12, $0x40  }
0x3a: {  	vm0 =	vmand vm0, vm1;
	_ =	sdelay $0x4  }
0x3b: {  	v11 =	vadd.s32 s18, v11  }
0x3c: {  	[tilespmem:v12+s10+$0x0] =	vst.idx.msk vm0, v11  }
0x3d: {  	[tilespmem:v12+s11+$0x0] =	vst.idx.msk vm0, v13  }
0x3e: {  	[tilespmem:s13], [sflag:$0x1] =	stream.indirect.gather [hbm4b:s2+s12], $0x80, s10, s12, $0xb8;
	[tilespmem:$0x2400] =	vst v63  }
0x3f: {  	_ =	swait.ge [sflag:s14], $0x2000  }
0x40: {  	[sflag:s14] =	ssyncset.done $0x0  }
0x41: {  	s18 =	simm.s32 $0x400;
	[sflag:s14] =	ssyncadd.s32 $0xFFFFE000  }
0x42: {  	s19 =	simm.s32 $0x1;
	s31 =	simm.s32 $0x0;
	v13 =	vld [tilespmem:s18+$0x0]  }
0x43: {  	v11 =	vmov s19;
	v12 =	vmov s31;
	v14 =	vld [tilespmem:s18+$0x10]  }
0x44: {  	v12 =	vand.u32 $0xFFFFFFFE, v12;
	v15 =	vld [tilespmem:s18+$0x20]  }
0x45: {  	v12 =	vbroadcast v12, $0x0;
	v16 =	vld [tilespmem:s18+$0x30]  }
0x46: {  	v17 =	vld [tilespmem:s18+$0x40]  }
0x47: {  	v18 =	vld [tilespmem:s18+$0x50]  }
0x48: {  	s19 =	simm.s32 $0x2;
	v11 =	vld.idx.msk [tilespmem:v11+s11+$0x0], $0xffff  }
.LBB2_5:
0x49: {  	p0 =	sne.s32 s19, $0x3E;
	v19 =	vld [tilespmem:s18+$0xFFFFFF80]  }
0x4a: {  	v20 =	vld [tilespmem:s18+$0xFFFFFF90]  }
0x4b: {  	v21 =	vmov s19;
	v22 =	vld.idx.msk [tilespmem:v12+s11+$0x0], $0xffff  }
0x4c: {  	v12 =	vand.u32 $0xFFFFFFFE, v21;
	v21 =	vld [tilespmem:s18+$0xFFFFFFA0]  }
0x4d: {  	v12 =	vbroadcast v12, $0x0;
	v23 =	vld [tilespmem:s18+$0xFFFFFFB0]  }
0x4e: {  	v25 =	vmul.f32 v13, v11;
	v26 =	vmul.f32 v14, v11;
	v24 =	vld [tilespmem:s18+$0xFFFFFFC0]  }
0x4f: {  	v27 =	vmul.f32 v15, v11;
	v16 =	vmul.f32 v16, v11;
	v14 =	vld [tilespmem:s18+$0xFFFFFFD0]  }
0x50: {  	v28 =	vmul.f32 v17, v11;
	v29 =	vmul.f32 v18, v11;
	v15 =	vld [tilespmem:s18+$0xFFFFFFE0]  }
0x51: {  	s20 =	sadd.s32 $0x1, s19;
	v13 =	vmul.f32 v19, v22;
	v17 =	vmul.f32 v20, v22;
	v18 =	vld [tilespmem:s18+$0xFFFFFFF0]  }
0x52: {  	v19 =	vmov s20;
	v20 =	vmul.f32 v21, v22;
	v21 =	vmul.f32 v23, v22;
	v23 =	vld [tilespmem:s18+$0x60]  }
0x53: {  	v10 =	vadd.f32 v13, v10;
	v9 =	vadd.f32 v17, v9;
	v17 =	vmul.f32 v24, v22;
	v24 =	vld [tilespmem:s18+$0x70];
	s18 =	sadd.s32 $0x100, s18  }
0x54: {  	v8 =	vadd.f32 v20, v8;
	v13 =	vld [tilespmem:s18+$0x0];
	v7 =	vadd.f32 v21, v7;
	v20 =	vmul.f32 v14, v22  }
0x55: {  	v10 =	vadd.f32 v25, v10;
	v9 =	vadd.f32 v26, v9;
	v14 =	vld [tilespmem:s18+$0x10];
	v21 =	vmul.f32 v15, v22  }
.Ltmp1:
0x56: {  	v8 =	vadd.f32 v27, v8;
	v15 =	vld [tilespmem:s18+$0x20];
	v18 =	vmul.f32 v18, v22;
	v7 =	vadd.f32 v16, v7;
	(pc) =	sbr.rel @p0 .LBB2_5-.Ltmp1, $4  }
0x57: {  	v6 =	vadd.f32 v17, v6;
	v5 =	vadd.f32 v20, v5;
	v16 =	vld [tilespmem:s18+$0x30];
	v20 =	vmul.f32 v23, v11  }
0x58: {  	v4 =	vadd.f32 v21, v4;
	v17 =	vld [tilespmem:s18+$0x40];
	v3 =	vadd.f32 v18, v3;
	v21 =	vmul.f32 v24, v11  }
0x59: {  	v6 =	vadd.f32 v28, v6;
	v5 =	vadd.f32 v29, v5;
	v18 =	vld [tilespmem:s18+$0x50]  }
0x5a: {  	s19 =	sadd.s32 $0x2, s19;
	v4 =	vadd.f32 v20, v4;
	v11 =	vld.idx.msk [tilespmem:v19+s11+$0x0], $0xffff;
	v3 =	vadd.f32 v21, v3  }
0x5b: {  	_ =	sdelay $0x1  }
0x5c: {  	v19 =	vld [tilespmem:s18+$0xFFFFFF80]  }
0x5d: {  	v20 =	vld [tilespmem:s18+$0xFFFFFF90]  }
0x5e: {  	v12 =	vld.idx.msk [tilespmem:v12+s11+$0x0], $0xffff  }
0x5f: {  	v21 =	vld [tilespmem:s18+$0xFFFFFFA0]  }
0x60: {  	v22 =	vld [tilespmem:s18+$0xFFFFFFB0]  }
0x61: {  	v23 =	vld [tilespmem:s18+$0xFFFFFFC0]  }
0x62: {  	v24 =	vld [tilespmem:s18+$0xFFFFFFD0]  }
0x63: {  	v25 =	vld [tilespmem:s18+$0xFFFFFFE0];
	v13 =	vmul.f32 v13, v11;
	v14 =	vmul.f32 v14, v11  }
0x64: {  	v26 =	vld [tilespmem:s18+$0xFFFFFFF0];
	v15 =	vmul.f32 v15, v11;
	v16 =	vmul.f32 v16, v11  }
0x65: {  	v19 =	vmul.f32 v19, v12;
	v20 =	vmul.f32 v20, v12  }
0x66: {  	v21 =	vmul.f32 v21, v12;
	v22 =	vmul.f32 v22, v12  }
0x67: {  	v27 =	vld [tilespmem:s18+$0x60];
	v59 =	vmul.f32 v23, v12;
	v61 =	vmul.f32 v24, v12  }
0x68: {  	v60 =	vld [tilespmem:s18+$0x70];
	v62 =	vmul.f32 v25, v12;
	v10 =	vadd.f32 v19, v10;
	v9 =	vadd.f32 v20, v9  }
0x69: {  	s17 =	sadd.s32 $0x1, s17;
	v12 =	vmul.f32 v26, v12;
	v8 =	vadd.f32 v21, v8;
	v7 =	vadd.f32 v22, v7  }
0x6a: {  	p0 =	sne.s32 s17, $0x8;
	v17 =	vmul.f32 v17, v11;
	v6 =	vadd.f32 v59, v6;
	v5 =	vadd.f32 v61, v5  }
.Ltmp2:
0x6b: {  	v18 =	vmul.f32 v18, v11;
	v4 =	vadd.f32 v62, v4;
	v3 =	vadd.f32 v12, v3;
	(pc) =	sbr.rel @p0 .LBB2_2-.Ltmp2, $4  }
0x6c: {  	v63 =	vmul.f32 v27, v11;
	v10 =	vadd.f32 v13, v10;
	v9 =	vadd.f32 v14, v9  }
0x6d: {  	v11 =	vmul.f32 v60, v11;
	v8 =	vadd.f32 v15, v8;
	v7 =	vadd.f32 v16, v7  }
0x6e: {  	v6 =	vadd.f32 v17, v6;
	v5 =	vadd.f32 v18, v5  }
0x6f: {  	v4 =	vadd.f32 v63, v4;
	v3 =	vadd.f32 v11, v3  }
0x70: {  	[tilespmem:$0x2380] =	vst v10  }
0x71: {  	[tilespmem:$0x2390] =	vst v9  }
0x72: {  	[tilespmem:$0x23A0] =	vst v8  }
0x73: {  	[tilespmem:$0x23B0] =	vst v7  }
0x74: {  	[tilespmem:$0x23C0] =	vst v6  }
0x75: {  	[tilespmem:$0x23D0] =	vst v5;
	s16 =	sadd.s32 $0x1, s16  }
0x76: {  	[tilespmem:$0x23E0] =	vst v4;
	p0 =	sne.s32 s16, s7  }
.Ltmp3:
0x77: {  	[tilespmem:$0x23F0] =	vst v3;
	(pc) =	sbr.rel @p0 .LBB2_1-.Ltmp3, $4  }
0x78: {  	[hbm4b:s6+s3] =	stream.linear.scatter [tilespmem:s15], [sflag:$0x2], $0x80, $0x38;
	[tilespmem:$0x2400] =	vst v63  }
0x79: {  	_ =	swait.ge [sflag:s8], $0x80  }
0x7a: {  	[sflag:s8] =	ssyncset.done $0x0  }
0x7b: {  	[sflag:s8] =	ssyncadd.s32 $0xFFFFFF80  }
0x7c: {  	_ =	sfence.sel $0x180000  }
0x7d: {  	[bflag:$0x0] =	sbarrier.arrive $0xFFFF  }
0x7e: {  	p0 =	sne.s32 s1, $0x0;
	_ =	strace $0x90000047  }
0x7f: {  	s0 =	sadd.s32 @!p0 $0x100000, s0;
	[bflag:$0x2] =	sbarrier.arrive $0xFFFF  }
0x80: {  	[sflag:s0] =	ssyncadd.tile.s32 @!p0 $0x1;
	_ =	shalt  }
.Lfunc_end2:
_tile_overlayer_lowered:
.L_overlay_start_2:
0x81: {  	(tag) =	ssettag $0x2  }
0x82: {  	s0 =	rddreg [dreg:$0x0];
	s2 =	stileid.u32  }
0x83: {  	s1 =	rddreg [dreg:$0x1];
	p0 =	sne.s32 s2, $0x0  }
0x84: {  	s3 =	rddreg [dreg:$0x2];
	[bflag:$0x3] =	sbarrier.arrive $0xFFFF;
	s2 =	simm.s32 @!p0 $0x1C02  }
0x85: {  	[timem:s3], [sflag:s2] =	dma.local @!p0 [hbm:s0], s1  }
0x86: {  	s0 =	simm.s32 @!p0 $0x2  }
0x87: {  	_ =	swait.ge @!p0 [sflag:s0], s1  }
0x88: {  	s1 =	ssub.s32 @!p0 $0x0, s1;
	[sflag:s0] =	ssyncset.done @!p0 $0x0  }
0x89: {  	[sflag:s0] =	ssyncadd.s32 @!p0 s1  }
0x8a: {  	[bflag:$0x3] =	sbarrier.arrive $0xFFFF  }
0x8b: {  	_ =	shalt  }

</sc_bundles>
